<compile_context>
chip_gen: v7x
topology: tpu7x:2x2x1
jax: 0.10.2.dev20260603
libtpu: 0.0.44.dev20260713+nightly
codegen_flags: <defaults>
</compile_context>

<pallas_src>
import functools

import jax
import jax.numpy as jnp
from jax import lax
from jax.experimental import pallas as pl
from jax.experimental.pallas import tpu as pltpu
from jax.experimental.pallas import tpu_sc as plsc

_B, _C, _T, _H, _W = 8, 3, 32, 224, 224
_NG = _B * _C
_NSLAB = _NG * _T
_NC, _NS = 2, 16
_NBUF = 2

_PERM = (31, 7, 4, 29, 16, 19, 2, 5, 30, 3, 22, 6, 18, 10, 11, 15,
         20, 8, 24, 9, 25, 13, 14, 17, 23, 0, 21, 26, 1, 28, 27, 12)


@functools.partial(
    pl.kernel,
    out_type=jax.ShapeDtypeStruct((_NSLAB, _H, _W), jnp.float32),
    mesh=plsc.VectorSubcoreMesh(core_axis_name="c", subcore_axis_name="s"),
    scratch_types=[pltpu.VMEM((1, _H, _W), jnp.float32) for _ in range(_NBUF)]
                  + [pltpu.SemaphoreType.DMA for _ in range(2 * _NBUF)],
)
def _sc_permute(frames_hbm, out_hbm, *rest):
    bufs = rest[:_NBUF]
    gsems = rest[_NBUF:2 * _NBUF]
    osems = rest[2 * _NBUF:]

    wid = lax.axis_index("s") * _NC + lax.axis_index("c")
    src_t = jnp.int32(0)
    for k in range(_T):
        src_t = src_t + jnp.int32(_PERM[k]) * (wid == k).astype(jnp.int32)

    def gather(i, s):
        return pltpu.async_copy(
            frames_hbm.at[pl.ds(i * _T + src_t, 1)], bufs[s], gsems[s])

    def put(i, s):
        return pltpu.async_copy(
            bufs[s], out_hbm.at[pl.ds(i * _T + wid, 1)], osems[s])

    gathers = [gather(b, b) for b in range(_NBUF)]
    outs = [None] * _NBUF
    for i in range(_NG):
        s = i % _NBUF
        j = i + _NBUF - 1
        if i >= 1 and j < _NG:
            ps = (s - 1) % _NBUF
            outs[ps].wait()
            gathers[ps] = gather(j, ps)
        gathers[s].wait()
        outs[s] = put(i, s)
    for b in range(_NBUF):
        if outs[b] is not None:
            outs[b].wait()


def kernel(frames):
    flat = frames.reshape(_NSLAB, _H, _W)
    out = _sc_permute(flat)
    return out.reshape(frames.shape)

# --- scband reference (transcript-rebuilt; emitter-appended) ---
"""Pipeline reference for scband-temporal-permutation-47768626266384 (READ-ONLY COPY).

The authoritative reference and input builder live on the scoring server;
editing this copy changes nothing except your own understanding.
"""

import jax, jax.numpy as jnp
import numpy as np


def setup_inputs(seed: int = 0) -> dict:
    key = jax.random.key(seed)
    frames = jax.random.normal(key, (8, 3, 32, 224, 224), dtype=jnp.float32)
    return {"frames": frames}


def reference(frames):
    # torch.randperm(nr_frames) -> fixed-seed jax permutation for determinism
    nr_frames = frames.shape[2]
    permutation = jax.random.permutation(jax.random.key(42), nr_frames)
    return frames[:, :, permutation, :, :]

if __name__ == "__main__":
    import jax
    _d = setup_inputs()
    print(jax.jit(kernel)(*tuple(_d.values())))

</pallas_src>

<mosaic_0001>
#map = affine_map<(d0, d1) -> (0, 0, 0)>
module attributes {stable_mosaic.version = 14 : i64} {
  func.func @_sc_permute(%arg0: i32, %arg1: i32, %arg2: memref<768x224x224xf32, #tpu.memory_space<hbm>>, %arg3: memref<768x224x224xf32, #tpu.memory_space<hbm>>, %arg4: memref<1x224x224xf32, #tpu.memory_space<vmem>>, %arg5: memref<1x224x224xf32, #tpu.memory_space<vmem>>, %arg6: memref<!tpu.dma_semaphore, #tpu.memory_space<semaphore_mem>>, %arg7: memref<!tpu.dma_semaphore, #tpu.memory_space<semaphore_mem>>, %arg8: memref<!tpu.dma_semaphore, #tpu.memory_space<semaphore_mem>>, %arg9: memref<!tpu.dma_semaphore, #tpu.memory_space<semaphore_mem>>) attributes {dimension_semantics = [#tpu.dimension_semantics<core_parallel>, #tpu.dimension_semantics<subcore_parallel>], iteration_bounds = array<i64: 2, 16>, scalar_prefetch = 0 : i64, scratch_operands = 6 : i64, tpu.core_type = #tpu.core_type<sc_vector_subcore>, window_params = [{transform_indices = #map}, {transform_indices = #map}]} {
    %mul3A = arith.constant 2 : i32
    %mul3A_0 = arith.muli %arg1, %mul3A : i32
    %add3A = arith.addi %mul3A_0, %arg0 : i32
    %eq3A = arith.constant 0 : i32
    %eq3A_1 = arith.cmpi eq, %add3A, %eq3A : i32
    %convert_element_type3A = arith.extui %eq3A_1 : i1 to i32
    %mul3A_2 = arith.constant 31 : i32
    %mul3A_3 = arith.muli %mul3A_2, %convert_element_type3A : i32
    %add3A_4 = arith.constant 0 : i32
    %add3A_5 = arith.addi %add3A_4, %mul3A_3 : i32
    %eq3A_6 = arith.constant 1 : i32
    %eq3A_7 = arith.cmpi eq, %add3A, %eq3A_6 : i32
    %convert_element_type3A_8 = arith.extui %eq3A_7 : i1 to i32
    %mul3A_9 = arith.constant 7 : i32
    %mul3A_10 = arith.muli %mul3A_9, %convert_element_type3A_8 : i32
    %add3A_11 = arith.addi %add3A_5, %mul3A_10 : i32
    %eq3A_12 = arith.constant 2 : i32
    %eq3A_13 = arith.cmpi eq, %add3A, %eq3A_12 : i32
    %convert_element_type3A_14 = arith.extui %eq3A_13 : i1 to i32
    %mul3A_15 = arith.constant 4 : i32
    %mul3A_16 = arith.muli %mul3A_15, %convert_element_type3A_14 : i32
    %add3A_17 = arith.addi %add3A_11, %mul3A_16 : i32
    %eq3A_18 = arith.constant 3 : i32
    %eq3A_19 = arith.cmpi eq, %add3A, %eq3A_18 : i32
    %convert_element_type3A_20 = arith.extui %eq3A_19 : i1 to i32
    %mul3A_21 = arith.constant 29 : i32
    %mul3A_22 = arith.muli %mul3A_21, %convert_element_type3A_20 : i32
    %add3A_23 = arith.addi %add3A_17, %mul3A_22 : i32
    %eq3A_24 = arith.constant 4 : i32
    %eq3A_25 = arith.cmpi eq, %add3A, %eq3A_24 : i32
    %convert_element_type3A_26 = arith.extui %eq3A_25 : i1 to i32
    %mul3A_27 = arith.constant 16 : i32
    %mul3A_28 = arith.muli %mul3A_27, %convert_element_type3A_26 : i32
    %add3A_29 = arith.addi %add3A_23, %mul3A_28 : i32
    %eq3A_30 = arith.constant 5 : i32
    %eq3A_31 = arith.cmpi eq, %add3A, %eq3A_30 : i32
    %convert_element_type3A_32 = arith.extui %eq3A_31 : i1 to i32
    %mul3A_33 = arith.constant 19 : i32
    %mul3A_34 = arith.muli %mul3A_33, %convert_element_type3A_32 : i32
    %add3A_35 = arith.addi %add3A_29, %mul3A_34 : i32
    %eq3A_36 = arith.constant 6 : i32
    %eq3A_37 = arith.cmpi eq, %add3A, %eq3A_36 : i32
    %convert_element_type3A_38 = arith.extui %eq3A_37 : i1 to i32
    %mul3A_39 = arith.constant 2 : i32
    %mul3A_40 = arith.muli %mul3A_39, %convert_element_type3A_38 : i32
    %add3A_41 = arith.addi %add3A_35, %mul3A_40 : i32
    %eq3A_42 = arith.constant 7 : i32
    %eq3A_43 = arith.cmpi eq, %add3A, %eq3A_42 : i32
    %convert_element_type3A_44 = arith.extui %eq3A_43 : i1 to i32
    %mul3A_45 = arith.constant 5 : i32
    %mul3A_46 = arith.muli %mul3A_45, %convert_element_type3A_44 : i32
    %add3A_47 = arith.addi %add3A_41, %mul3A_46 : i32
    %eq3A_48 = arith.constant 8 : i32
    %eq3A_49 = arith.cmpi eq, %add3A, %eq3A_48 : i32
    %convert_element_type3A_50 = arith.extui %eq3A_49 : i1 to i32
    %mul3A_51 = arith.constant 30 : i32
    %mul3A_52 = arith.muli %mul3A_51, %convert_element_type3A_50 : i32
    %add3A_53 = arith.addi %add3A_47, %mul3A_52 : i32
    %eq3A_54 = arith.constant 9 : i32
    %eq3A_55 = arith.cmpi eq, %add3A, %eq3A_54 : i32
    %convert_element_type3A_56 = arith.extui %eq3A_55 : i1 to i32
    %mul3A_57 = arith.constant 3 : i32
    %mul3A_58 = arith.muli %mul3A_57, %convert_element_type3A_56 : i32
    %add3A_59 = arith.addi %add3A_53, %mul3A_58 : i32
    %eq3A_60 = arith.constant 10 : i32
    %eq3A_61 = arith.cmpi eq, %add3A, %eq3A_60 : i32
    %convert_element_type3A_62 = arith.extui %eq3A_61 : i1 to i32
    %mul3A_63 = arith.constant 22 : i32
    %mul3A_64 = arith.muli %mul3A_63, %convert_element_type3A_62 : i32
    %add3A_65 = arith.addi %add3A_59, %mul3A_64 : i32
    %eq3A_66 = arith.constant 11 : i32
    %eq3A_67 = arith.cmpi eq, %add3A, %eq3A_66 : i32
    %convert_element_type3A_68 = arith.extui %eq3A_67 : i1 to i32
    %mul3A_69 = arith.constant 6 : i32
    %mul3A_70 = arith.muli %mul3A_69, %convert_element_type3A_68 : i32
    %add3A_71 = arith.addi %add3A_65, %mul3A_70 : i32
    %eq3A_72 = arith.constant 12 : i32
    %eq3A_73 = arith.cmpi eq, %add3A, %eq3A_72 : i32
    %convert_element_type3A_74 = arith.extui %eq3A_73 : i1 to i32
    %mul3A_75 = arith.constant 18 : i32
    %mul3A_76 = arith.muli %mul3A_75, %convert_element_type3A_74 : i32
    %add3A_77 = arith.addi %add3A_71, %mul3A_76 : i32
    %eq3A_78 = arith.constant 13 : i32
    %eq3A_79 = arith.cmpi eq, %add3A, %eq3A_78 : i32
    %convert_element_type3A_80 = arith.extui %eq3A_79 : i1 to i32
    %mul3A_81 = arith.constant 10 : i32
    %mul3A_82 = arith.muli %mul3A_81, %convert_element_type3A_80 : i32
    %add3A_83 = arith.addi %add3A_77, %mul3A_82 : i32
    %eq3A_84 = arith.constant 14 : i32
    %eq3A_85 = arith.cmpi eq, %add3A, %eq3A_84 : i32
    %convert_element_type3A_86 = arith.extui %eq3A_85 : i1 to i32
    %mul3A_87 = arith.constant 11 : i32
    %mul3A_88 = arith.muli %mul3A_87, %convert_element_type3A_86 : i32
    %add3A_89 = arith.addi %add3A_83, %mul3A_88 : i32
    %eq3A_90 = arith.constant 15 : i32
    %eq3A_91 = arith.cmpi eq, %add3A, %eq3A_90 : i32
    %convert_element_type3A_92 = arith.extui %eq3A_91 : i1 to i32
    %mul3A_93 = arith.constant 15 : i32
    %mul3A_94 = arith.muli %mul3A_93, %convert_element_type3A_92 : i32
    %add3A_95 = arith.addi %add3A_89, %mul3A_94 : i32
    %eq3A_96 = arith.constant 16 : i32
    %eq3A_97 = arith.cmpi eq, %add3A, %eq3A_96 : i32
    %convert_element_type3A_98 = arith.extui %eq3A_97 : i1 to i32
    %mul3A_99 = arith.constant 20 : i32
    %mul3A_100 = arith.muli %mul3A_99, %convert_element_type3A_98 : i32
    %add3A_101 = arith.addi %add3A_95, %mul3A_100 : i32
    %eq3A_102 = arith.constant 17 : i32
    %eq3A_103 = arith.cmpi eq, %add3A, %eq3A_102 : i32
    %convert_element_type3A_104 = arith.extui %eq3A_103 : i1 to i32
    %mul3A_105 = arith.constant 8 : i32
    %mul3A_106 = arith.muli %mul3A_105, %convert_element_type3A_104 : i32
    %add3A_107 = arith.addi %add3A_101, %mul3A_106 : i32
    %eq3A_108 = arith.constant 18 : i32
    %eq3A_109 = arith.cmpi eq, %add3A, %eq3A_108 : i32
    %convert_element_type3A_110 = arith.extui %eq3A_109 : i1 to i32
    %mul3A_111 = arith.constant 24 : i32
    %mul3A_112 = arith.muli %mul3A_111, %convert_element_type3A_110 : i32
    %add3A_113 = arith.addi %add3A_107, %mul3A_112 : i32
    %eq3A_114 = arith.constant 19 : i32
    %eq3A_115 = arith.cmpi eq, %add3A, %eq3A_114 : i32
    %convert_element_type3A_116 = arith.extui %eq3A_115 : i1 to i32
    %mul3A_117 = arith.constant 9 : i32
    %mul3A_118 = arith.muli %mul3A_117, %convert_element_type3A_116 : i32
    %add3A_119 = arith.addi %add3A_113, %mul3A_118 : i32
    %eq3A_120 = arith.constant 20 : i32
    %eq3A_121 = arith.cmpi eq, %add3A, %eq3A_120 : i32
    %convert_element_type3A_122 = arith.extui %eq3A_121 : i1 to i32
    %mul3A_123 = arith.constant 25 : i32
    %mul3A_124 = arith.muli %mul3A_123, %convert_element_type3A_122 : i32
    %add3A_125 = arith.addi %add3A_119, %mul3A_124 : i32
    %eq3A_126 = arith.constant 21 : i32
    %eq3A_127 = arith.cmpi eq, %add3A, %eq3A_126 : i32
    %convert_element_type3A_128 = arith.extui %eq3A_127 : i1 to i32
    %mul3A_129 = arith.constant 13 : i32
    %mul3A_130 = arith.muli %mul3A_129, %convert_element_type3A_128 : i32
    %add3A_131 = arith.addi %add3A_125, %mul3A_130 : i32
    %eq3A_132 = arith.constant 22 : i32
    %eq3A_133 = arith.cmpi eq, %add3A, %eq3A_132 : i32
    %convert_element_type3A_134 = arith.extui %eq3A_133 : i1 to i32
    %mul3A_135 = arith.constant 14 : i32
    %mul3A_136 = arith.muli %mul3A_135, %convert_element_type3A_134 : i32
    %add3A_137 = arith.addi %add3A_131, %mul3A_136 : i32
    %eq3A_138 = arith.constant 23 : i32
    %eq3A_139 = arith.cmpi eq, %add3A, %eq3A_138 : i32
    %convert_element_type3A_140 = arith.extui %eq3A_139 : i1 to i32
    %mul3A_141 = arith.constant 17 : i32
    %mul3A_142 = arith.muli %mul3A_141, %convert_element_type3A_140 : i32
    %add3A_143 = arith.addi %add3A_137, %mul3A_142 : i32
    %eq3A_144 = arith.constant 24 : i32
    %eq3A_145 = arith.cmpi eq, %add3A, %eq3A_144 : i32
    %convert_element_type3A_146 = arith.extui %eq3A_145 : i1 to i32
    %mul3A_147 = arith.constant 23 : i32
    %mul3A_148 = arith.muli %mul3A_147, %convert_element_type3A_146 : i32
    %add3A_149 = arith.addi %add3A_143, %mul3A_148 : i32
    %eq3A_150 = arith.constant 25 : i32
    %eq3A_151 = arith.cmpi eq, %add3A, %eq3A_150 : i32
    %convert_element_type3A_152 = arith.extui %eq3A_151 : i1 to i32
    %mul3A_153 = arith.constant 0 : i32
    %mul3A_154 = arith.muli %mul3A_153, %convert_element_type3A_152 : i32
    %add3A_155 = arith.addi %add3A_149, %mul3A_154 : i32
    %eq3A_156 = arith.constant 26 : i32
    %eq3A_157 = arith.cmpi eq, %add3A, %eq3A_156 : i32
    %convert_element_type3A_158 = arith.extui %eq3A_157 : i1 to i32
    %mul3A_159 = arith.constant 21 : i32
    %mul3A_160 = arith.muli %mul3A_159, %convert_element_type3A_158 : i32
    %add3A_161 = arith.addi %add3A_155, %mul3A_160 : i32
    %eq3A_162 = arith.constant 27 : i32
    %eq3A_163 = arith.cmpi eq, %add3A, %eq3A_162 : i32
    %convert_element_type3A_164 = arith.extui %eq3A_163 : i1 to i32
    %mul3A_165 = arith.constant 26 : i32
    %mul3A_166 = arith.muli %mul3A_165, %convert_element_type3A_164 : i32
    %add3A_167 = arith.addi %add3A_161, %mul3A_166 : i32
    %eq3A_168 = arith.constant 28 : i32
    %eq3A_169 = arith.cmpi eq, %add3A, %eq3A_168 : i32
    %convert_element_type3A_170 = arith.extui %eq3A_169 : i1 to i32
    %mul3A_171 = arith.constant 1 : i32
    %mul3A_172 = arith.muli %mul3A_171, %convert_element_type3A_170 : i32
    %add3A_173 = arith.addi %add3A_167, %mul3A_172 : i32
    %eq3A_174 = arith.constant 29 : i32
    %eq3A_175 = arith.cmpi eq, %add3A, %eq3A_174 : i32
    %convert_element_type3A_176 = arith.extui %eq3A_175 : i1 to i32
    %mul3A_177 = arith.constant 28 : i32
    %mul3A_178 = arith.muli %mul3A_177, %convert_element_type3A_176 : i32
    %add3A_179 = arith.addi %add3A_173, %mul3A_178 : i32
    %eq3A_180 = arith.constant 30 : i32
    %eq3A_181 = arith.cmpi eq, %add3A, %eq3A_180 : i32
    %convert_element_type3A_182 = arith.extui %eq3A_181 : i1 to i32
    %mul3A_183 = arith.constant 27 : i32
    %mul3A_184 = arith.muli %mul3A_183, %convert_element_type3A_182 : i32
    %add3A_185 = arith.addi %add3A_179, %mul3A_184 : i32
    %eq3A_186 = arith.constant 31 : i32
    %eq3A_187 = arith.cmpi eq, %add3A, %eq3A_186 : i32
    %convert_element_type3A_188 = arith.extui %eq3A_187 : i1 to i32
    %mul3A_189 = arith.constant 12 : i32
    %mul3A_190 = arith.muli %mul3A_189, %convert_element_type3A_188 : i32
    %add3A_191 = arith.addi %add3A_185, %mul3A_190 : i32
    %add3A_192 = arith.constant 0 : i32
    %add3A_193 = arith.addi %add3A_192, %add3A_191 : i32
    %dma_start3A = arith.constant 0 : i32
    %dma_start3A_194 = arith.constant 0 : i32
    %dma_start3A_195 = tpu.memref_slice %arg2[%add3A_193, %dma_start3A, %dma_start3A_194] : memref<768x224x224xf32, #tpu.memory_space<hbm>> -> memref<1x224x224xf32, #tpu.memory_space<hbm>>
    %dma_start3A_196 = arith.constant 0 : i32
    %dma_start3A_197 = arith.constant 0 : i32
    %dma_start3A_198 = tpu.memref_slice %arg2[%add3A_193, %dma_start3A_196, %dma_start3A_197] : memref<768x224x224xf32, #tpu.memory_space<hbm>> -> memref<1x224x224xf32, #tpu.memory_space<hbm>>
    tpu.enqueue_dma source(%dma_start3A_198 : memref<1x224x224xf32, #tpu.memory_space<hbm>>) target(%arg4 : memref<1x224x224xf32, #tpu.memory_space<vmem>>) target_semaphore(%arg6 : memref<!tpu.dma_semaphore, #tpu.memory_space<semaphore_mem>>)
    %add3A_199 = arith.constant 32 : i32
    %add3A_200 = arith.addi %add3A_199, %add3A_191 : i32
    %dma_start3A_201 = arith.constant 0 : i32
    %dma_start3A_202 = arith.constant 0 : i32
    %dma_start3A_203 = tpu.memref_slice %arg2[%add3A_200, %dma_start3A_201, %dma_start3A_202] : memref<768x224x224xf32, #tpu.memory_space<hbm>> -> memref<1x224x224xf32, #tpu.memory_space<hbm>>
    %dma_start3A_204 = arith.constant 0 : i32
    %dma_start3A_205 = arith.constant 0 : i32
    %dma_start3A_206 = tpu.memref_slice %arg2[%add3A_200, %dma_start3A_204, %dma_start3A_205] : memref<768x224x224xf32, #tpu.memory_space<hbm>> -> memref<1x224x224xf32, #tpu.memory_space<hbm>>
    tpu.enqueue_dma source(%dma_start3A_206 : memref<1x224x224xf32, #tpu.memory_space<hbm>>) target(%arg5 : memref<1x224x224xf32, #tpu.memory_space<vmem>>) target_semaphore(%arg7 : memref<!tpu.dma_semaphore, #tpu.memory_space<semaphore_mem>>)
    %dma_wait3A = arith.constant 0 : i32
    %dma_wait3A_207 = arith.constant 0 : i32
    %dma_wait3A_208 = tpu.memref_slice %arg2[%add3A_193, %dma_wait3A, %dma_wait3A_207] : memref<768x224x224xf32, #tpu.memory_space<hbm>> -> memref<1x224x224xf32, #tpu.memory_space<hbm>>
    %dma_wait3A_209 = arith.constant 0 : i32
    %dma_wait3A_210 = arith.constant 0 : i32
    %dma_wait3A_211 = tpu.memref_slice %arg2[%add3A_193, %dma_wait3A_209, %dma_wait3A_210] : memref<768x224x224xf32, #tpu.memory_space<hbm>> -> memref<1x224x224xf32, #tpu.memory_space<hbm>>
    tpu.wait_dma2 semaphore(%arg6 : memref<!tpu.dma_semaphore, #tpu.memory_space<semaphore_mem>>) src(%dma_wait3A_211 : memref<1x224x224xf32, #tpu.memory_space<hbm>>) dst(%arg4 : memref<1x224x224xf32, #tpu.memory_space<vmem>>)
    %add3A_212 = arith.constant 0 : i32
    %add3A_213 = arith.addi %add3A_212, %add3A : i32
    %dma_start3A_214 = arith.constant 0 : i32
    %dma_start3A_215 = arith.constant 0 : i32
    %dma_start3A_216 = tpu.memref_slice %arg3[%add3A_213, %dma_start3A_214, %dma_start3A_215] : memref<768x224x224xf32, #tpu.memory_space<hbm>> -> memref<1x224x224xf32, #tpu.memory_space<hbm>>
    %dma_start3A_217 = arith.constant 0 : i32
    %dma_start3A_218 = arith.constant 0 : i32
    %dma_start3A_219 = tpu.memref_slice %arg3[%add3A_213, %dma_start3A_217, %dma_start3A_218] : memref<768x224x224xf32, #tpu.memory_space<hbm>> -> memref<1x224x224xf32, #tpu.memory_space<hbm>>
    tpu.enqueue_dma source(%arg4 : memref<1x224x224xf32, #tpu.memory_space<vmem>>) target(%dma_start3A_219 : memref<1x224x224xf32, #tpu.memory_space<hbm>>) target_semaphore(%arg8 : memref<!tpu.dma_semaphore, #tpu.memory_space<semaphore_mem>>)
    %dma_wait3A_220 = arith.constant 0 : i32
    %dma_wait3A_221 = arith.constant 0 : i32
    %dma_wait3A_222 = tpu.memref_slice %arg3[%add3A_213, %dma_wait3A_220, %dma_wait3A_221] : memref<768x224x224xf32, #tpu.memory_space<hbm>> -> memref<1x224x224xf32, #tpu.memory_space<hbm>>
    %dma_wait3A_223 = arith.constant 0 : i32
    %dma_wait3A_224 = arith.constant 0 : i32
    %dma_wait3A_225 = tpu.memref_slice %arg3[%add3A_213, %dma_wait3A_223, %dma_wait3A_224] : memref<768x224x224xf32, #tpu.memory_space<hbm>> -> memref<1x224x224xf32, #tpu.memory_space<hbm>>
    tpu.wait_dma2 semaphore(%arg8 : memref<!tpu.dma_semaphore, #tpu.memory_space<semaphore_mem>>) src(%arg4 : memref<1x224x224xf32, #tpu.memory_space<vmem>>) dst(%dma_wait3A_225 : memref<1x224x224xf32, #tpu.memory_space<hbm>>)
    %add3A_226 = arith.constant 64 : i32
    %add3A_227 = arith.addi %add3A_226, %add3A_191 : i32
    %dma_start3A_228 = arith.constant 0 : i32
    %dma_start3A_229 = arith.constant 0 : i32
    %dma_start3A_230 = tpu.memref_slice %arg2[%add3A_227, %dma_start3A_228, %dma_start3A_229] : memref<768x224x224xf32, #tpu.memory_space<hbm>> -> memref<1x224x224xf32, #tpu.memory_space<hbm>>
    %dma_start3A_231 = arith.constant 0 : i32
    %dma_start3A_232 = arith.constant 0 : i32
    %dma_start3A_233 = tpu.memref_slice %arg2[%add3A_227, %dma_start3A_231, %dma_start3A_232] : memref<768x224x224xf32, #tpu.memory_space<hbm>> -> memref<1x224x224xf32, #tpu.memory_space<hbm>>
    tpu.enqueue_dma source(%dma_start3A_233 : memref<1x224x224xf32, #tpu.memory_space<hbm>>) target(%arg4 : memref<1x224x224xf32, #tpu.memory_space<vmem>>) target_semaphore(%arg6 : memref<!tpu.dma_semaphore, #tpu.memory_space<semaphore_mem>>)
    %dma_wait3A_234 = arith.constant 0 : i32
    %dma_wait3A_235 = arith.constant 0 : i32
    %dma_wait3A_236 = tpu.memref_slice %arg2[%add3A_200, %dma_wait3A_234, %dma_wait3A_235] : memref<768x224x224xf32, #tpu.memory_space<hbm>> -> memref<1x224x224xf32, #tpu.memory_space<hbm>>
    %dma_wait3A_237 = arith.constant 0 : i32
    %dma_wait3A_238 = arith.constant 0 : i32
    %dma_wait3A_239 = tpu.memref_slice %arg2[%add3A_200, %dma_wait3A_237, %dma_wait3A_238] : memref<768x224x224xf32, #tpu.memory_space<hbm>> -> memref<1x224x224xf32, #tpu.memory_space<hbm>>
    tpu.wait_dma2 semaphore(%arg7 : memref<!tpu.dma_semaphore, #tpu.memory_space<semaphore_mem>>) src(%dma_wait3A_239 : memref<1x224x224xf32, #tpu.memory_space<hbm>>) dst(%arg5 : memref<1x224x224xf32, #tpu.memory_space<vmem>>)
    %add3A_240 = arith.constant 32 : i32
    %add3A_241 = arith.addi %add3A_240, %add3A : i32
    %dma_start3A_242 = arith.constant 0 : i32
    %dma_start3A_243 = arith.constant 0 : i32
    %dma_start3A_244 = tpu.memref_slice %arg3[%add3A_241, %dma_start3A_242, %dma_start3A_243] : memref<768x224x224xf32, #tpu.memory_space<hbm>> -> memref<1x224x224xf32, #tpu.memory_space<hbm>>
    %dma_start3A_245 = arith.constant 0 : i32
    %dma_start3A_246 = arith.constant 0 : i32
    %dma_start3A_247 = tpu.memref_slice %arg3[%add3A_241, %dma_start3A_245, %dma_start3A_246] : memref<768x224x224xf32, #tpu.memory_space<hbm>> -> memref<1x224x224xf32, #tpu.memory_space<hbm>>
    tpu.enqueue_dma source(%arg5 : memref<1x224x224xf32, #tpu.memory_space<vmem>>) target(%dma_start3A_247 : memref<1x224x224xf32, #tpu.memory_space<hbm>>) target_semaphore(%arg9 : memref<!tpu.dma_semaphore, #tpu.memory_space<semaphore_mem>>)
    %dma_wait3A_248 = arith.constant 0 : i32
    %dma_wait3A_249 = arith.constant 0 : i32
    %dma_wait3A_250 = tpu.memref_slice %arg3[%add3A_241, %dma_wait3A_248, %dma_wait3A_249] : memref<768x224x224xf32, #tpu.memory_space<hbm>> -> memref<1x224x224xf32, #tpu.memory_space<hbm>>
    %dma_wait3A_251 = arith.constant 0 : i32
    %dma_wait3A_252 = arith.constant 0 : i32
    %dma_wait3A_253 = tpu.memref_slice %arg3[%add3A_241, %dma_wait3A_251, %dma_wait3A_252] : memref<768x224x224xf32, #tpu.memory_space<hbm>> -> memref<1x224x224xf32, #tpu.memory_space<hbm>>
    tpu.wait_dma2 semaphore(%arg9 : memref<!tpu.dma_semaphore, #tpu.memory_space<semaphore_mem>>) src(%arg5 : memref<1x224x224xf32, #tpu.memory_space<vmem>>) dst(%dma_wait3A_253 : memref<1x224x224xf32, #tpu.memory_space<hbm>>)
    %add3A_254 = arith.constant 96 : i32
    %add3A_255 = arith.addi %add3A_254, %add3A_191 : i32
    %dma_start3A_256 = arith.constant 0 : i32
    %dma_start3A_257 = arith.constant 0 : i32
    %dma_start3A_258 = tpu.memref_slice %arg2[%add3A_255, %dma_start3A_256, %dma_start3A_257] : memref<768x224x224xf32, #tpu.memory_space<hbm>> -> memref<1x224x224xf32, #tpu.memory_space<hbm>>
    %dma_start3A_259 = arith.constant 0 : i32
    %dma_start3A_260 = arith.constant 0 : i32
    %dma_start3A_261 = tpu.memref_slice %arg2[%add3A_255, %dma_start3A_259, %dma_start3A_260] : memref<768x224x224xf32, #tpu.memory_space<hbm>> -> memref<1x224x224xf32, #tpu.memory_space<hbm>>
    tpu.enqueue_dma source(%dma_start3A_261 : memref<1x224x224xf32, #tpu.memory_space<hbm>>) target(%arg5 : memref<1x224x224xf32, #tpu.memory_space<vmem>>) target_semaphore(%arg7 : memref<!tpu.dma_semaphore, #tpu.memory_space<semaphore_mem>>)
    %dma_wait3A_262 = arith.constant 0 : i32
    %dma_wait3A_263 = arith.constant 0 : i32
    %dma_wait3A_264 = tpu.memref_slice %arg2[%add3A_227, %dma_wait3A_262, %dma_wait3A_263] : memref<768x224x224xf32, #tpu.memory_space<hbm>> -> memref<1x224x224xf32, #tpu.memory_space<hbm>>
    %dma_wait3A_265 = arith.constant 0 : i32
    %dma_wait3A_266 = arith.constant 0 : i32
    %dma_wait3A_267 = tpu.memref_slice %arg2[%add3A_227, %dma_wait3A_265, %dma_wait3A_266] : memref<768x224x224xf32, #tpu.memory_space<hbm>> -> memref<1x224x224xf32, #tpu.memory_space<hbm>>
    tpu.wait_dma2 semaphore(%arg6 : memref<!tpu.dma_semaphore, #tpu.memory_space<semaphore_mem>>) src(%dma_wait3A_267 : memref<1x224x224xf32, #tpu.memory_space<hbm>>) dst(%arg4 : memref<1x224x224xf32, #tpu.memory_space<vmem>>)
    %add3A_268 = arith.constant 64 : i32
    %add3A_269 = arith.addi %add3A_268, %add3A : i32
    %dma_start3A_270 = arith.constant 0 : i32
    %dma_start3A_271 = arith.constant 0 : i32
    %dma_start3A_272 = tpu.memref_slice %arg3[%add3A_269, %dma_start3A_270, %dma_start3A_271] : memref<768x224x224xf32, #tpu.memory_space<hbm>> -> memref<1x224x224xf32, #tpu.memory_space<hbm>>
    %dma_start3A_273 = arith.constant 0 : i32
    %dma_start3A_274 = arith.constant 0 : i32
    %dma_start3A_275 = tpu.memref_slice %arg3[%add3A_269, %dma_start3A_273, %dma_start3A_274] : memref<768x224x224xf32, #tpu.memory_space<hbm>> -> memref<1x224x224xf32, #tpu.memory_space<hbm>>
    tpu.enqueue_dma source(%arg4 : memref<1x224x224xf32, #tpu.memory_space<vmem>>) target(%dma_start3A_275 : memref<1x224x224xf32, #tpu.memory_space<hbm>>) target_semaphore(%arg8 : memref<!tpu.dma_semaphore, #tpu.memory_space<semaphore_mem>>)
    %dma_wait3A_276 = arith.constant 0 : i32
    %dma_wait3A_277 = arith.constant 0 : i32
    %dma_wait3A_278 = tpu.memref_slice %arg3[%add3A_269, %dma_wait3A_276, %dma_wait3A_277] : memref<768x224x224xf32, #tpu.memory_space<hbm>> -> memref<1x224x224xf32, #tpu.memory_space<hbm>>
    %dma_wait3A_279 = arith.constant 0 : i32
    %dma_wait3A_280 = arith.constant 0 : i32
    %dma_wait3A_281 = tpu.memref_slice %arg3[%add3A_269, %dma_wait3A_279, %dma_wait3A_280] : memref<768x224x224xf32, #tpu.memory_space<hbm>> -> memref<1x224x224xf32, #tpu.memory_space<hbm>>
    tpu.wait_dma2 semaphore(%arg8 : memref<!tpu.dma_semaphore, #tpu.memory_space<semaphore_mem>>) src(%arg4 : memref<1x224x224xf32, #tpu.memory_space<vmem>>) dst(%dma_wait3A_281 : memref<1x224x224xf32, #tpu.memory_space<hbm>>)
    %add3A_282 = arith.constant 128 : i32
    %add3A_283 = arith.addi %add3A_282, %add3A_191 : i32
    %dma_start3A_284 = arith.constant 0 : i32
    %dma_start3A_285 = arith.constant 0 : i32
    %dma_start3A_286 = tpu.memref_slice %arg2[%add3A_283, %dma_start3A_284, %dma_start3A_285] : memref<768x224x224xf32, #tpu.memory_space<hbm>> -> memref<1x224x224xf32, #tpu.memory_space<hbm>>
    %dma_start3A_287 = arith.constant 0 : i32
    %dma_start3A_288 = arith.constant 0 : i32
    %dma_start3A_289 = tpu.memref_slice %arg2[%add3A_283, %dma_start3A_287, %dma_start3A_288] : memref<768x224x224xf32, #tpu.memory_space<hbm>> -> memref<1x224x224xf32, #tpu.memory_space<hbm>>
    tpu.enqueue_dma source(%dma_start3A_289 : memref<1x224x224xf32, #tpu.memory_space<hbm>>) target(%arg4 : memref<1x224x224xf32, #tpu.memory_space<vmem>>) target_semaphore(%arg6 : memref<!tpu.dma_semaphore, #tpu.memory_space<semaphore_mem>>)
    %dma_wait3A_290 = arith.constant 0 : i32
    %dma_wait3A_291 = arith.constant 0 : i32
    %dma_wait3A_292 = tpu.memref_slice %arg2[%add3A_255, %dma_wait3A_290, %dma_wait3A_291] : memref<768x224x224xf32, #tpu.memory_space<hbm>> -> memref<1x224x224xf32, #tpu.memory_space<hbm>>
    %dma_wait3A_293 = arith.constant 0 : i32
    %dma_wait3A_294 = arith.constant 0 : i32
    %dma_wait3A_295 = tpu.memref_slice %arg2[%add3A_255, %dma_wait3A_293, %dma_wait3A_294] : memref<768x224x224xf32, #tpu.memory_space<hbm>> -> memref<1x224x224xf32, #tpu.memory_space<hbm>>
    tpu.wait_dma2 semaphore(%arg7 : memref<!tpu.dma_semaphore, #tpu.memory_space<semaphore_mem>>) src(%dma_wait3A_295 : memref<1x224x224xf32, #tpu.memory_space<hbm>>) dst(%arg5 : memref<1x224x224xf32, #tpu.memory_space<vmem>>)
    %add3A_296 = arith.constant 96 : i32
    %add3A_297 = arith.addi %add3A_296, %add3A : i32
    %dma_start3A_298 = arith.constant 0 : i32
    %dma_start3A_299 = arith.constant 0 : i32
    %dma_start3A_300 = tpu.memref_slice %arg3[%add3A_297, %dma_start3A_298, %dma_start3A_299] : memref<768x224x224xf32, #tpu.memory_space<hbm>> -> memref<1x224x224xf32, #tpu.memory_space<hbm>>
    %dma_start3A_301 = arith.constant 0 : i32
    %dma_start3A_302 = arith.constant 0 : i32
    %dma_start3A_303 = tpu.memref_slice %arg3[%add3A_297, %dma_start3A_301, %dma_start3A_302] : memref<768x224x224xf32, #tpu.memory_space<hbm>> -> memref<1x224x224xf32, #tpu.memory_space<hbm>>
    tpu.enqueue_dma source(%arg5 : memref<1x224x224xf32, #tpu.memory_space<vmem>>) target(%dma_start3A_303 : memref<1x224x224xf32, #tpu.memory_space<hbm>>) target_semaphore(%arg9 : memref<!tpu.dma_semaphore, #tpu.memory_space<semaphore_mem>>)
    %dma_wait3A_304 = arith.constant 0 : i32
    %dma_wait3A_305 = arith.constant 0 : i32
    %dma_wait3A_306 = tpu.memref_slice %arg3[%add3A_297, %dma_wait3A_304, %dma_wait3A_305] : memref<768x224x224xf32, #tpu.memory_space<hbm>> -> memref<1x224x224xf32, #tpu.memory_space<hbm>>
    %dma_wait3A_307 = arith.constant 0 : i32
    %dma_wait3A_308 = arith.constant 0 : i32
    %dma_wait3A_309 = tpu.memref_slice %arg3[%add3A_297, %dma_wait3A_307, %dma_wait3A_308] : memref<768x224x224xf32, #tpu.memory_space<hbm>> -> memref<1x224x224xf32, #tpu.memory_space<hbm>>
    tpu.wait_dma2 semaphore(%arg9 : memref<!tpu.dma_semaphore, #tpu.memory_space<semaphore_mem>>) src(%arg5 : memref<1x224x224xf32, #tpu.memory_space<vmem>>) dst(%dma_wait3A_309 : memref<1x224x224xf32, #tpu.memory_space<hbm>>)
    %add3A_310 = arith.constant 160 : i32
    %add3A_311 = arith.addi %add3A_310, %add3A_191 : i32
    %dma_start3A_312 = arith.constant 0 : i32
    %dma_start3A_313 = arith.constant 0 : i32
    %dma_start3A_314 = tpu.memref_slice %arg2[%add3A_311, %dma_start3A_312, %dma_start3A_313] : memref<768x224x224xf32, #tpu.memory_space<hbm>> -> memref<1x224x224xf32, #tpu.memory_space<hbm>>
    %dma_start3A_315 = arith.constant 0 : i32
    %dma_start3A_316 = arith.constant 0 : i32
    %dma_start3A_317 = tpu.memref_slice %arg2[%add3A_311, %dma_start3A_315, %dma_start3A_316] : memref<768x224x224xf32, #tpu.memory_space<hbm>> -> memref<1x224x224xf32, #tpu.memory_space<hbm>>
    tpu.enqueue_dma source(%dma_start3A_317 : memref<1x224x224xf32, #tpu.memory_space<hbm>>) target(%arg5 : memref<1x224x224xf32, #tpu.memory_space<vmem>>) target_semaphore(%arg7 : memref<!tpu.dma_semaphore, #tpu.memory_space<semaphore_mem>>)
    %dma_wait3A_318 = arith.constant 0 : i32
    %dma_wait3A_319 = arith.constant 0 : i32
    %dma_wait3A_320 = tpu.memref_slice %arg2[%add3A_283, %dma_wait3A_318, %dma_wait3A_319] : memref<768x224x224xf32, #tpu.memory_space<hbm>> -> memref<1x224x224xf32, #tpu.memory_space<hbm>>
    %dma_wait3A_321 = arith.constant 0 : i32
    %dma_wait3A_322 = arith.constant 0 : i32
    %dma_wait3A_323 = tpu.memref_slice %arg2[%add3A_283, %dma_wait3A_321, %dma_wait3A_322] : memref<768x224x224xf32, #tpu.memory_space<hbm>> -> memref<1x224x224xf32, #tpu.memory_space<hbm>>
    tpu.wait_dma2 semaphore(%arg6 : memref<!tpu.dma_semaphore, #tpu.memory_space<semaphore_mem>>) src(%dma_wait3A_323 : memref<1x224x224xf32, #tpu.memory_space<hbm>>) dst(%arg4 : memref<1x224x224xf32, #tpu.memory_space<vmem>>)
    %add3A_324 = arith.constant 128 : i32
    %add3A_325 = arith.addi %add3A_324, %add3A : i32
    %dma_start3A_326 = arith.constant 0 : i32
    %dma_start3A_327 = arith.constant 0 : i32
    %dma_start3A_328 = tpu.memref_slice %arg3[%add3A_325, %dma_start3A_326, %dma_start3A_327] : memref<768x224x224xf32, #tpu.memory_space<hbm>> -> memref<1x224x224xf32, #tpu.memory_space<hbm>>
    %dma_start3A_329 = arith.constant 0 : i32
    %dma_start3A_330 = arith.constant 0 : i32
    %dma_start3A_331 = tpu.memref_slice %arg3[%add3A_325, %dma_start3A_329, %dma_start3A_330] : memref<768x224x224xf32, #tpu.memory_space<hbm>> -> memref<1x224x224xf32, #tpu.memory_space<hbm>>
    tpu.enqueue_dma source(%arg4 : memref<1x224x224xf32, #tpu.memory_space<vmem>>) target(%dma_start3A_331 : memref<1x224x224xf32, #tpu.memory_space<hbm>>) target_semaphore(%arg8 : memref<!tpu.dma_semaphore, #tpu.memory_space<semaphore_mem>>)
    %dma_wait3A_332 = arith.constant 0 : i32
    %dma_wait3A_333 = arith.constant 0 : i32
    %dma_wait3A_334 = tpu.memref_slice %arg3[%add3A_325, %dma_wait3A_332, %dma_wait3A_333] : memref<768x224x224xf32, #tpu.memory_space<hbm>> -> memref<1x224x224xf32, #tpu.memory_space<hbm>>
    %dma_wait3A_335 = arith.constant 0 : i32
    %dma_wait3A_336 = arith.constant 0 : i32
    %dma_wait3A_337 = tpu.memref_slice %arg3[%add3A_325, %dma_wait3A_335, %dma_wait3A_336] : memref<768x224x224xf32, #tpu.memory_space<hbm>> -> memref<1x224x224xf32, #tpu.memory_space<hbm>>
    tpu.wait_dma2 semaphore(%arg8 : memref<!tpu.dma_semaphore, #tpu.memory_space<semaphore_mem>>) src(%arg4 : memref<1x224x224xf32, #tpu.memory_space<vmem>>) dst(%dma_wait3A_337 : memref<1x224x224xf32, #tpu.memory_space<hbm>>)
    %add3A_338 = arith.constant 192 : i32
    %add3A_339 = arith.addi %add3A_338, %add3A_191 : i32
    %dma_start3A_340 = arith.constant 0 : i32
    %dma_start3A_341 = arith.constant 0 : i32
    %dma_start3A_342 = tpu.memref_slice %arg2[%add3A_339, %dma_start3A_340, %dma_start3A_341] : memref<768x224x224xf32, #tpu.memory_space<hbm>> -> memref<1x224x224xf32, #tpu.memory_space<hbm>>
    %dma_start3A_343 = arith.constant 0 : i32
    %dma_start3A_344 = arith.constant 0 : i32
    %dma_start3A_345 = tpu.memref_slice %arg2[%add3A_339, %dma_start3A_343, %dma_start3A_344] : memref<768x224x224xf32, #tpu.memory_space<hbm>> -> memref<1x224x224xf32, #tpu.memory_space<hbm>>
    tpu.enqueue_dma source(%dma_start3A_345 : memref<1x224x224xf32, #tpu.memory_space<hbm>>) target(%arg4 : memref<1x224x224xf32, #tpu.memory_space<vmem>>) target_semaphore(%arg6 : memref<!tpu.dma_semaphore, #tpu.memory_space<semaphore_mem>>)
    %dma_wait3A_346 = arith.constant 0 : i32
    %dma_wait3A_347 = arith.constant 0 : i32
    %dma_wait3A_348 = tpu.memref_slice %arg2[%add3A_311, %dma_wait3A_346, %dma_wait3A_347] : memref<768x224x224xf32, #tpu.memory_space<hbm>> -> memref<1x224x224xf32, #tpu.memory_space<hbm>>
    %dma_wait3A_349 = arith.constant 0 : i32
    %dma_wait3A_350 = arith.constant 0 : i32
    %dma_wait3A_351 = tpu.memref_slice %arg2[%add3A_311, %dma_wait3A_349, %dma_wait3A_350] : memref<768x224x224xf32, #tpu.memory_space<hbm>> -> memref<1x224x224xf32, #tpu.memory_space<hbm>>
    tpu.wait_dma2 semaphore(%arg7 : memref<!tpu.dma_semaphore, #tpu.memory_space<semaphore_mem>>) src(%dma_wait3A_351 : memref<1x224x224xf32, #tpu.memory_space<hbm>>) dst(%arg5 : memref<1x224x224xf32, #tpu.memory_space<vmem>>)
    %add3A_352 = arith.constant 160 : i32
    %add3A_353 = arith.addi %add3A_352, %add3A : i32
    %dma_start3A_354 = arith.constant 0 : i32
    %dma_start3A_355 = arith.constant 0 : i32
    %dma_start3A_356 = tpu.memref_slice %arg3[%add3A_353, %dma_start3A_354, %dma_start3A_355] : memref<768x224x224xf32, #tpu.memory_space<hbm>> -> memref<1x224x224xf32, #tpu.memory_space<hbm>>
    %dma_start3A_357 = arith.constant 0 : i32
    %dma_start3A_358 = arith.constant 0 : i32
    %dma_start3A_359 = tpu.memref_slice %arg3[%add3A_353, %dma_start3A_357, %dma_start3A_358] : memref<768x224x224xf32, #tpu.memory_space<hbm>> -> memref<1x224x224xf32, #tpu.memory_space<hbm>>
    tpu.enqueue_dma source(%arg5 : memref<1x224x224xf32, #tpu.memory_space<vmem>>) target(%dma_start3A_359 : memref<1x224x224xf32, #tpu.memory_space<hbm>>) target_semaphore(%arg9 : memref<!tpu.dma_semaphore, #tpu.memory_space<semaphore_mem>>)
    %dma_wait3A_360 = arith.constant 0 : i32
    %dma_wait3A_361 = arith.constant 0 : i32
    %dma_wait3A_362 = tpu.memref_slice %arg3[%add3A_353, %dma_wait3A_360, %dma_wait3A_361] : memref<768x224x224xf32, #tpu.memory_space<hbm>> -> memref<1x224x224xf32, #tpu.memory_space<hbm>>
    %dma_wait3A_363 = arith.constant 0 : i32
    %dma_wait3A_364 = arith.constant 0 : i32
    %dma_wait3A_365 = tpu.memref_slice %arg3[%add3A_353, %dma_wait3A_363, %dma_wait3A_364] : memref<768x224x224xf32, #tpu.memory_space<hbm>> -> memref<1x224x224xf32, #tpu.memory_space<hbm>>
    tpu.wait_dma2 semaphore(%arg9 : memref<!tpu.dma_semaphore, #tpu.memory_space<semaphore_mem>>) src(%arg5 : memref<1x224x224xf32, #tpu.memory_space<vmem>>) dst(%dma_wait3A_365 : memref<1x224x224xf32, #tpu.memory_space<hbm>>)
    %add3A_366 = arith.constant 224 : i32
    %add3A_367 = arith.addi %add3A_366, %add3A_191 : i32
    %dma_start3A_368 = arith.constant 0 : i32
    %dma_start3A_369 = arith.constant 0 : i32
    %dma_start3A_370 = tpu.memref_slice %arg2[%add3A_367, %dma_start3A_368, %dma_start3A_369] : memref<768x224x224xf32, #tpu.memory_space<hbm>> -> memref<1x224x224xf32, #tpu.memory_space<hbm>>
    %dma_start3A_371 = arith.constant 0 : i32
    %dma_start3A_372 = arith.constant 0 : i32
    %dma_start3A_373 = tpu.memref_slice %arg2[%add3A_367, %dma_start3A_371, %dma_start3A_372] : memref<768x224x224xf32, #tpu.memory_space<hbm>> -> memref<1x224x224xf32, #tpu.memory_space<hbm>>
    tpu.enqueue_dma source(%dma_start3A_373 : memref<1x224x224xf32, #tpu.memory_space<hbm>>) target(%arg5 : memref<1x224x224xf32, #tpu.memory_space<vmem>>) target_semaphore(%arg7 : memref<!tpu.dma_semaphore, #tpu.memory_space<semaphore_mem>>)
    %dma_wait3A_374 = arith.constant 0 : i32
    %dma_wait3A_375 = arith.constant 0 : i32
    %dma_wait3A_376 = tpu.memref_slice %arg2[%add3A_339, %dma_wait3A_374, %dma_wait3A_375] : memref<768x224x224xf32, #tpu.memory_space<hbm>> -> memref<1x224x224xf32, #tpu.memory_space<hbm>>
    %dma_wait3A_377 = arith.constant 0 : i32
    %dma_wait3A_378 = arith.constant 0 : i32
    %dma_wait3A_379 = tpu.memref_slice %arg2[%add3A_339, %dma_wait3A_377, %dma_wait3A_378] : memref<768x224x224xf32, #tpu.memory_space<hbm>> -> memref<1x224x224xf32, #tpu.memory_space<hbm>>
    tpu.wait_dma2 semaphore(%arg6 : memref<!tpu.dma_semaphore, #tpu.memory_space<semaphore_mem>>) src(%dma_wait3A_379 : memref<1x224x224xf32, #tpu.memory_space<hbm>>) dst(%arg4 : memref<1x224x224xf32, #tpu.memory_space<vmem>>)
    %add3A_380 = arith.constant 192 : i32
    %add3A_381 = arith.addi %add3A_380, %add3A : i32
    %dma_start3A_382 = arith.constant 0 : i32
    %dma_start3A_383 = arith.constant 0 : i32
    %dma_start3A_384 = tpu.memref_slice %arg3[%add3A_381, %dma_start3A_382, %dma_start3A_383] : memref<768x224x224xf32, #tpu.memory_space<hbm>> -> memref<1x224x224xf32, #tpu.memory_space<hbm>>
    %dma_start3A_385 = arith.constant 0 : i32
    %dma_start3A_386 = arith.constant 0 : i32
    %dma_start3A_387 = tpu.memref_slice %arg3[%add3A_381, %dma_start3A_385, %dma_start3A_386] : memref<768x224x224xf32, #tpu.memory_space<hbm>> -> memref<1x224x224xf32, #tpu.memory_space<hbm>>
    tpu.enqueue_dma source(%arg4 : memref<1x224x224xf32, #tpu.memory_space<vmem>>) target(%dma_start3A_387 : memref<1x224x224xf32, #tpu.memory_space<hbm>>) target_semaphore(%arg8 : memref<!tpu.dma_semaphore, #tpu.memory_space<semaphore_mem>>)
    %dma_wait3A_388 = arith.constant 0 : i32
    %dma_wait3A_389 = arith.constant 0 : i32
    %dma_wait3A_390 = tpu.memref_slice %arg3[%add3A_381, %dma_wait3A_388, %dma_wait3A_389] : memref<768x224x224xf32, #tpu.memory_space<hbm>> -> memref<1x224x224xf32, #tpu.memory_space<hbm>>
    %dma_wait3A_391 = arith.constant 0 : i32
    %dma_wait3A_392 = arith.constant 0 : i32
    %dma_wait3A_393 = tpu.memref_slice %arg3[%add3A_381, %dma_wait3A_391, %dma_wait3A_392] : memref<768x224x224xf32, #tpu.memory_space<hbm>> -> memref<1x224x224xf32, #tpu.memory_space<hbm>>
    tpu.wait_dma2 semaphore(%arg8 : memref<!tpu.dma_semaphore, #tpu.memory_space<semaphore_mem>>) src(%arg4 : memref<1x224x224xf32, #tpu.memory_space<vmem>>) dst(%dma_wait3A_393 : memref<1x224x224xf32, #tpu.memory_space<hbm>>)
    %add3A_394 = arith.constant 256 : i32
    %add3A_395 = arith.addi %add3A_394, %add3A_191 : i32
    %dma_start3A_396 = arith.constant 0 : i32
    %dma_start3A_397 = arith.constant 0 : i32
    %dma_start3A_398 = tpu.memref_slice %arg2[%add3A_395, %dma_start3A_396, %dma_start3A_397] : memref<768x224x224xf32, #tpu.memory_space<hbm>> -> memref<1x224x224xf32, #tpu.memory_space<hbm>>
    %dma_start3A_399 = arith.constant 0 : i32
    %dma_start3A_400 = arith.constant 0 : i32
    %dma_start3A_401 = tpu.memref_slice %arg2[%add3A_395, %dma_start3A_399, %dma_start3A_400] : memref<768x224x224xf32, #tpu.memory_space<hbm>> -> memref<1x224x224xf32, #tpu.memory_space<hbm>>
    tpu.enqueue_dma source(%dma_start3A_401 : memref<1x224x224xf32, #tpu.memory_space<hbm>>) target(%arg4 : memref<1x224x224xf32, #tpu.memory_space<vmem>>) target_semaphore(%arg6 : memref<!tpu.dma_semaphore, #tpu.memory_space<semaphore_mem>>)
    %dma_wait3A_402 = arith.constant 0 : i32
    %dma_wait3A_403 = arith.constant 0 : i32
    %dma_wait3A_404 = tpu.memref_slice %arg2[%add3A_367, %dma_wait3A_402, %dma_wait3A_403] : memref<768x224x224xf32, #tpu.memory_space<hbm>> -> memref<1x224x224xf32, #tpu.memory_space<hbm>>
    %dma_wait3A_405 = arith.constant 0 : i32
    %dma_wait3A_406 = arith.constant 0 : i32
    %dma_wait3A_407 = tpu.memref_slice %arg2[%add3A_367, %dma_wait3A_405, %dma_wait3A_406] : memref<768x224x224xf32, #tpu.memory_space<hbm>> -> memref<1x224x224xf32, #tpu.memory_space<hbm>>
    tpu.wait_dma2 semaphore(%arg7 : memref<!tpu.dma_semaphore, #tpu.memory_space<semaphore_mem>>) src(%dma_wait3A_407 : memref<1x224x224xf32, #tpu.memory_space<hbm>>) dst(%arg5 : memref<1x224x224xf32, #tpu.memory_space<vmem>>)
    %add3A_408 = arith.constant 224 : i32
    %add3A_409 = arith.addi %add3A_408, %add3A : i32
    %dma_start3A_410 = arith.constant 0 : i32
    %dma_start3A_411 = arith.constant 0 : i32
    %dma_start3A_412 = tpu.memref_slice %arg3[%add3A_409, %dma_start3A_410, %dma_start3A_411] : memref<768x224x224xf32, #tpu.memory_space<hbm>> -> memref<1x224x224xf32, #tpu.memory_space<hbm>>
    %dma_start3A_413 = arith.constant 0 : i32
    %dma_start3A_414 = arith.constant 0 : i32
    %dma_start3A_415 = tpu.memref_slice %arg3[%add3A_409, %dma_start3A_413, %dma_start3A_414] : memref<768x224x224xf32, #tpu.memory_space<hbm>> -> memref<1x224x224xf32, #tpu.memory_space<hbm>>
    tpu.enqueue_dma source(%arg5 : memref<1x224x224xf32, #tpu.memory_space<vmem>>) target(%dma_start3A_415 : memref<1x224x224xf32, #tpu.memory_space<hbm>>) target_semaphore(%arg9 : memref<!tpu.dma_semaphore, #tpu.memory_space<semaphore_mem>>)
    %dma_wait3A_416 = arith.constant 0 : i32
    %dma_wait3A_417 = arith.constant 0 : i32
    %dma_wait3A_418 = tpu.memref_slice %arg3[%add3A_409, %dma_wait3A_416, %dma_wait3A_417] : memref<768x224x224xf32, #tpu.memory_space<hbm>> -> memref<1x224x224xf32, #tpu.memory_space<hbm>>
    %dma_wait3A_419 = arith.constant 0 : i32
    %dma_wait3A_420 = arith.constant 0 : i32
    %dma_wait3A_421 = tpu.memref_slice %arg3[%add3A_409, %dma_wait3A_419, %dma_wait3A_420] : memref<768x224x224xf32, #tpu.memory_space<hbm>> -> memref<1x224x224xf32, #tpu.memory_space<hbm>>
    tpu.wait_dma2 semaphore(%arg9 : memref<!tpu.dma_semaphore, #tpu.memory_space<semaphore_mem>>) src(%arg5 : memref<1x224x224xf32, #tpu.memory_space<vmem>>) dst(%dma_wait3A_421 : memref<1x224x224xf32, #tpu.memory_space<hbm>>)
    %add3A_422 = arith.constant 288 : i32
    %add3A_423 = arith.addi %add3A_422, %add3A_191 : i32
    %dma_start3A_424 = arith.constant 0 : i32
    %dma_start3A_425 = arith.constant 0 : i32
    %dma_start3A_426 = tpu.memref_slice %arg2[%add3A_423, %dma_start3A_424, %dma_start3A_425] : memref<768x224x224xf32, #tpu.memory_space<hbm>> -> memref<1x224x224xf32, #tpu.memory_space<hbm>>
    %dma_start3A_427 = arith.constant 0 : i32
    %dma_start3A_428 = arith.constant 0 : i32
    %dma_start3A_429 = tpu.memref_slice %arg2[%add3A_423, %dma_start3A_427, %dma_start3A_428] : memref<768x224x224xf32, #tpu.memory_space<hbm>> -> memref<1x224x224xf32, #tpu.memory_space<hbm>>
    tpu.enqueue_dma source(%dma_start3A_429 : memref<1x224x224xf32, #tpu.memory_space<hbm>>) target(%arg5 : memref<1x224x224xf32, #tpu.memory_space<vmem>>) target_semaphore(%arg7 : memref<!tpu.dma_semaphore, #tpu.memory_space<semaphore_mem>>)
    %dma_wait3A_430 = arith.constant 0 : i32
    %dma_wait3A_431 = arith.constant 0 : i32
    %dma_wait3A_432 = tpu.memref_slice %arg2[%add3A_395, %dma_wait3A_430, %dma_wait3A_431] : memref<768x224x224xf32, #tpu.memory_space<hbm>> -> memref<1x224x224xf32, #tpu.memory_space<hbm>>
    %dma_wait3A_433 = arith.constant 0 : i32
    %dma_wait3A_434 = arith.constant 0 : i32
    %dma_wait3A_435 = tpu.memref_slice %arg2[%add3A_395, %dma_wait3A_433, %dma_wait3A_434] : memref<768x224x224xf32, #tpu.memory_space<hbm>> -> memref<1x224x224xf32, #tpu.memory_space<hbm>>
    tpu.wait_dma2 semaphore(%arg6 : memref<!tpu.dma_semaphore, #tpu.memory_space<semaphore_mem>>) src(%dma_wait3A_435 : memref<1x224x224xf32, #tpu.memory_space<hbm>>) dst(%arg4 : memref<1x224x224xf32, #tpu.memory_space<vmem>>)
    %add3A_436 = arith.constant 256 : i32
    %add3A_437 = arith.addi %add3A_436, %add3A : i32
    %dma_start3A_438 = arith.constant 0 : i32
    %dma_start3A_439 = arith.constant 0 : i32
    %dma_start3A_440 = tpu.memref_slice %arg3[%add3A_437, %dma_start3A_438, %dma_start3A_439] : memref<768x224x224xf32, #tpu.memory_space<hbm>> -> memref<1x224x224xf32, #tpu.memory_space<hbm>>
    %dma_start3A_441 = arith.constant 0 : i32
    %dma_start3A_442 = arith.constant 0 : i32
    %dma_start3A_443 = tpu.memref_slice %arg3[%add3A_437, %dma_start3A_441, %dma_start3A_442] : memref<768x224x224xf32, #tpu.memory_space<hbm>> -> memref<1x224x224xf32, #tpu.memory_space<hbm>>
    tpu.enqueue_dma source(%arg4 : memref<1x224x224xf32, #tpu.memory_space<vmem>>) target(%dma_start3A_443 : memref<1x224x224xf32, #tpu.memory_space<hbm>>) target_semaphore(%arg8 : memref<!tpu.dma_semaphore, #tpu.memory_space<semaphore_mem>>)
    %dma_wait3A_444 = arith.constant 0 : i32
    %dma_wait3A_445 = arith.constant 0 : i32
    %dma_wait3A_446 = tpu.memref_slice %arg3[%add3A_437, %dma_wait3A_444, %dma_wait3A_445] : memref<768x224x224xf32, #tpu.memory_space<hbm>> -> memref<1x224x224xf32, #tpu.memory_space<hbm>>
    %dma_wait3A_447 = arith.constant 0 : i32
    %dma_wait3A_448 = arith.constant 0 : i32
    %dma_wait3A_449 = tpu.memref_slice %arg3[%add3A_437, %dma_wait3A_447, %dma_wait3A_448] : memref<768x224x224xf32, #tpu.memory_space<hbm>> -> memref<1x224x224xf32, #tpu.memory_space<hbm>>
    tpu.wait_dma2 semaphore(%arg8 : memref<!tpu.dma_semaphore, #tpu.memory_space<semaphore_mem>>) src(%arg4 : memref<1x224x224xf32, #tpu.memory_space<vmem>>) dst(%dma_wait3A_449 : memref<1x224x224xf32, #tpu.memory_space<hbm>>)
    %add3A_450 = arith.constant 320 : i32
    %add3A_451 = arith.addi %add3A_450, %add3A_191 : i32
    %dma_start3A_452 = arith.constant 0 : i32
    %dma_start3A_453 = arith.constant 0 : i32
    %dma_start3A_454 = tpu.memref_slice %arg2[%add3A_451, %dma_start3A_452, %dma_start3A_453] : memref<768x224x224xf32, #tpu.memory_space<hbm>> -> memref<1x224x224xf32, #tpu.memory_space<hbm>>
    %dma_start3A_455 = arith.constant 0 : i32
    %dma_start3A_456 = arith.constant 0 : i32
    %dma_start3A_457 = tpu.memref_slice %arg2[%add3A_451, %dma_start3A_455, %dma_start3A_456] : memref<768x224x224xf32, #tpu.memory_space<hbm>> -> memref<1x224x224xf32, #tpu.memory_space<hbm>>
    tpu.enqueue_dma source(%dma_start3A_457 : memref<1x224x224xf32, #tpu.memory_space<hbm>>) target(%arg4 : memref<1x224x224xf32, #tpu.memory_space<vmem>>) target_semaphore(%arg6 : memref<!tpu.dma_semaphore, #tpu.memory_space<semaphore_mem>>)
    %dma_wait3A_458 = arith.constant 0 : i32
    %dma_wait3A_459 = arith.constant 0 : i32
    %dma_wait3A_460 = tpu.memref_slice %arg2[%add3A_423, %dma_wait3A_458, %dma_wait3A_459] : memref<768x224x224xf32, #tpu.memory_space<hbm>> -> memref<1x224x224xf32, #tpu.memory_space<hbm>>
    %dma_wait3A_461 = arith.constant 0 : i32
    %dma_wait3A_462 = arith.constant 0 : i32
    %dma_wait3A_463 = tpu.memref_slice %arg2[%add3A_423, %dma_wait3A_461, %dma_wait3A_462] : memref<768x224x224xf32, #tpu.memory_space<hbm>> -> memref<1x224x224xf32, #tpu.memory_space<hbm>>
    tpu.wait_dma2 semaphore(%arg7 : memref<!tpu.dma_semaphore, #tpu.memory_space<semaphore_mem>>) src(%dma_wait3A_463 : memref<1x224x224xf32, #tpu.memory_space<hbm>>) dst(%arg5 : memref<1x224x224xf32, #tpu.memory_space<vmem>>)
    %add3A_464 = arith.constant 288 : i32
    %add3A_465 = arith.addi %add3A_464, %add3A : i32
    %dma_start3A_466 = arith.constant 0 : i32
    %dma_start3A_467 = arith.constant 0 : i32
    %dma_start3A_468 = tpu.memref_slice %arg3[%add3A_465, %dma_start3A_466, %dma_start3A_467] : memref<768x224x224xf32, #tpu.memory_space<hbm>> -> memref<1x224x224xf32, #tpu.memory_space<hbm>>
    %dma_start3A_469 = arith.constant 0 : i32
    %dma_start3A_470 = arith.constant 0 : i32
    %dma_start3A_471 = tpu.memref_slice %arg3[%add3A_465, %dma_start3A_469, %dma_start3A_470] : memref<768x224x224xf32, #tpu.memory_space<hbm>> -> memref<1x224x224xf32, #tpu.memory_space<hbm>>
    tpu.enqueue_dma source(%arg5 : memref<1x224x224xf32, #tpu.memory_space<vmem>>) target(%dma_start3A_471 : memref<1x224x224xf32, #tpu.memory_space<hbm>>) target_semaphore(%arg9 : memref<!tpu.dma_semaphore, #tpu.memory_space<semaphore_mem>>)
    %dma_wait3A_472 = arith.constant 0 : i32
    %dma_wait3A_473 = arith.constant 0 : i32
    %dma_wait3A_474 = tpu.memref_slice %arg3[%add3A_465, %dma_wait3A_472, %dma_wait3A_473] : memref<768x224x224xf32, #tpu.memory_space<hbm>> -> memref<1x224x224xf32, #tpu.memory_space<hbm>>
    %dma_wait3A_475 = arith.constant 0 : i32
    %dma_wait3A_476 = arith.constant 0 : i32
    %dma_wait3A_477 = tpu.memref_slice %arg3[%add3A_465, %dma_wait3A_475, %dma_wait3A_476] : memref<768x224x224xf32, #tpu.memory_space<hbm>> -> memref<1x224x224xf32, #tpu.memory_space<hbm>>
    tpu.wait_dma2 semaphore(%arg9 : memref<!tpu.dma_semaphore, #tpu.memory_space<semaphore_mem>>) src(%arg5 : memref<1x224x224xf32, #tpu.memory_space<vmem>>) dst(%dma_wait3A_477 : memref<1x224x224xf32, #tpu.memory_space<hbm>>)
    %add3A_478 = arith.constant 352 : i32
    %add3A_479 = arith.addi %add3A_478, %add3A_191 : i32
    %dma_start3A_480 = arith.constant 0 : i32
    %dma_start3A_481 = arith.constant 0 : i32
    %dma_start3A_482 = tpu.memref_slice %arg2[%add3A_479, %dma_start3A_480, %dma_start3A_481] : memref<768x224x224xf32, #tpu.memory_space<hbm>> -> memref<1x224x224xf32, #tpu.memory_space<hbm>>
    %dma_start3A_483 = arith.constant 0 : i32
    %dma_start3A_484 = arith.constant 0 : i32
    %dma_start3A_485 = tpu.memref_slice %arg2[%add3A_479, %dma_start3A_483, %dma_start3A_484] : memref<768x224x224xf32, #tpu.memory_space<hbm>> -> memref<1x224x224xf32, #tpu.memory_space<hbm>>
    tpu.enqueue_dma source(%dma_start3A_485 : memref<1x224x224xf32, #tpu.memory_space<hbm>>) target(%arg5 : memref<1x224x224xf32, #tpu.memory_space<vmem>>) target_semaphore(%arg7 : memref<!tpu.dma_semaphore, #tpu.memory_space<semaphore_mem>>)
    %dma_wait3A_486 = arith.constant 0 : i32
    %dma_wait3A_487 = arith.constant 0 : i32
    %dma_wait3A_488 = tpu.memref_slice %arg2[%add3A_451, %dma_wait3A_486, %dma_wait3A_487] : memref<768x224x224xf32, #tpu.memory_space<hbm>> -> memref<1x224x224xf32, #tpu.memory_space<hbm>>
    %dma_wait3A_489 = arith.constant 0 : i32
    %dma_wait3A_490 = arith.constant 0 : i32
    %dma_wait3A_491 = tpu.memref_slice %arg2[%add3A_451, %dma_wait3A_489, %dma_wait3A_490] : memref<768x224x224xf32, #tpu.memory_space<hbm>> -> memref<1x224x224xf32, #tpu.memory_space<hbm>>
    tpu.wait_dma2 semaphore(%arg6 : memref<!tpu.dma_semaphore, #tpu.memory_space<semaphore_mem>>) src(%dma_wait3A_491 : memref<1x224x224xf32, #tpu.memory_space<hbm>>) dst(%arg4 : memref<1x224x224xf32, #tpu.memory_space<vmem>>)
    %add3A_492 = arith.constant 320 : i32
    %add3A_493 = arith.addi %add3A_492, %add3A : i32
    %dma_start3A_494 = arith.constant 0 : i32
    %dma_start3A_495 = arith.constant 0 : i32
    %dma_start3A_496 = tpu.memref_slice %arg3[%add3A_493, %dma_start3A_494, %dma_start3A_495] : memref<768x224x224xf32, #tpu.memory_space<hbm>> -> memref<1x224x224xf32, #tpu.memory_space<hbm>>
    %dma_start3A_497 = arith.constant 0 : i32
    %dma_start3A_498 = arith.constant 0 : i32
    %dma_start3A_499 = tpu.memref_slice %arg3[%add3A_493, %dma_start3A_497, %dma_start3A_498] : memref<768x224x224xf32, #tpu.memory_space<hbm>> -> memref<1x224x224xf32, #tpu.memory_space<hbm>>
    tpu.enqueue_dma source(%arg4 : memref<1x224x224xf32, #tpu.memory_space<vmem>>) target(%dma_start3A_499 : memref<1x224x224xf32, #tpu.memory_space<hbm>>) target_semaphore(%arg8 : memref<!tpu.dma_semaphore, #tpu.memory_space<semaphore_mem>>)
    %dma_wait3A_500 = arith.constant 0 : i32
    %dma_wait3A_501 = arith.constant 0 : i32
    %dma_wait3A_502 = tpu.memref_slice %arg3[%add3A_493, %dma_wait3A_500, %dma_wait3A_501] : memref<768x224x224xf32, #tpu.memory_space<hbm>> -> memref<1x224x224xf32, #tpu.memory_space<hbm>>
    %dma_wait3A_503 = arith.constant 0 : i32
    %dma_wait3A_504 = arith.constant 0 : i32
    %dma_wait3A_505 = tpu.memref_slice %arg3[%add3A_493, %dma_wait3A_503, %dma_wait3A_504] : memref<768x224x224xf32, #tpu.memory_space<hbm>> -> memref<1x224x224xf32, #tpu.memory_space<hbm>>
    tpu.wait_dma2 semaphore(%arg8 : memref<!tpu.dma_semaphore, #tpu.memory_space<semaphore_mem>>) src(%arg4 : memref<1x224x224xf32, #tpu.memory_space<vmem>>) dst(%dma_wait3A_505 : memref<1x224x224xf32, #tpu.memory_space<hbm>>)
    %add3A_506 = arith.constant 384 : i32
    %add3A_507 = arith.addi %add3A_506, %add3A_191 : i32
    %dma_start3A_508 = arith.constant 0 : i32
    %dma_start3A_509 = arith.constant 0 : i32
    %dma_start3A_510 = tpu.memref_slice %arg2[%add3A_507, %dma_start3A_508, %dma_start3A_509] : memref<768x224x224xf32, #tpu.memory_space<hbm>> -> memref<1x224x224xf32, #tpu.memory_space<hbm>>
    %dma_start3A_511 = arith.constant 0 : i32
    %dma_start3A_512 = arith.constant 0 : i32
    %dma_start3A_513 = tpu.memref_slice %arg2[%add3A_507, %dma_start3A_511, %dma_start3A_512] : memref<768x224x224xf32, #tpu.memory_space<hbm>> -> memref<1x224x224xf32, #tpu.memory_space<hbm>>
    tpu.enqueue_dma source(%dma_start3A_513 : memref<1x224x224xf32, #tpu.memory_space<hbm>>) target(%arg4 : memref<1x224x224xf32, #tpu.memory_space<vmem>>) target_semaphore(%arg6 : memref<!tpu.dma_semaphore, #tpu.memory_space<semaphore_mem>>)
    %dma_wait3A_514 = arith.constant 0 : i32
    %dma_wait3A_515 = arith.constant 0 : i32
    %dma_wait3A_516 = tpu.memref_slice %arg2[%add3A_479, %dma_wait3A_514, %dma_wait3A_515] : memref<768x224x224xf32, #tpu.memory_space<hbm>> -> memref<1x224x224xf32, #tpu.memory_space<hbm>>
    %dma_wait3A_517 = arith.constant 0 : i32
    %dma_wait3A_518 = arith.constant 0 : i32
    %dma_wait3A_519 = tpu.memref_slice %arg2[%add3A_479, %dma_wait3A_517, %dma_wait3A_518] : memref<768x224x224xf32, #tpu.memory_space<hbm>> -> memref<1x224x224xf32, #tpu.memory_space<hbm>>
    tpu.wait_dma2 semaphore(%arg7 : memref<!tpu.dma_semaphore, #tpu.memory_space<semaphore_mem>>) src(%dma_wait3A_519 : memref<1x224x224xf32, #tpu.memory_space<hbm>>) dst(%arg5 : memref<1x224x224xf32, #tpu.memory_space<vmem>>)
    %add3A_520 = arith.constant 352 : i32
    %add3A_521 = arith.addi %add3A_520, %add3A : i32
    %dma_start3A_522 = arith.constant 0 : i32
    %dma_start3A_523 = arith.constant 0 : i32
    %dma_start3A_524 = tpu.memref_slice %arg3[%add3A_521, %dma_start3A_522, %dma_start3A_523] : memref<768x224x224xf32, #tpu.memory_space<hbm>> -> memref<1x224x224xf32, #tpu.memory_space<hbm>>
    %dma_start3A_525 = arith.constant 0 : i32
    %dma_start3A_526 = arith.constant 0 : i32
    %dma_start3A_527 = tpu.memref_slice %arg3[%add3A_521, %dma_start3A_525, %dma_start3A_526] : memref<768x224x224xf32, #tpu.memory_space<hbm>> -> memref<1x224x224xf32, #tpu.memory_space<hbm>>
    tpu.enqueue_dma source(%arg5 : memref<1x224x224xf32, #tpu.memory_space<vmem>>) target(%dma_start3A_527 : memref<1x224x224xf32, #tpu.memory_space<hbm>>) target_semaphore(%arg9 : memref<!tpu.dma_semaphore, #tpu.memory_space<semaphore_mem>>)
    %dma_wait3A_528 = arith.constant 0 : i32
    %dma_wait3A_529 = arith.constant 0 : i32
    %dma_wait3A_530 = tpu.memref_slice %arg3[%add3A_521, %dma_wait3A_528, %dma_wait3A_529] : memref<768x224x224xf32, #tpu.memory_space<hbm>> -> memref<1x224x224xf32, #tpu.memory_space<hbm>>
    %dma_wait3A_531 = arith.constant 0 : i32
    %dma_wait3A_532 = arith.constant 0 : i32
    %dma_wait3A_533 = tpu.memref_slice %arg3[%add3A_521, %dma_wait3A_531, %dma_wait3A_532] : memref<768x224x224xf32, #tpu.memory_space<hbm>> -> memref<1x224x224xf32, #tpu.memory_space<hbm>>
    tpu.wait_dma2 semaphore(%arg9 : memref<!tpu.dma_semaphore, #tpu.memory_space<semaphore_mem>>) src(%arg5 : memref<1x224x224xf32, #tpu.memory_space<vmem>>) dst(%dma_wait3A_533 : memref<1x224x224xf32, #tpu.memory_space<hbm>>)
    %add3A_534 = arith.constant 416 : i32
    %add3A_535 = arith.addi %add3A_534, %add3A_191 : i32
    %dma_start3A_536 = arith.constant 0 : i32
    %dma_start3A_537 = arith.constant 0 : i32
    %dma_start3A_538 = tpu.memref_slice %arg2[%add3A_535, %dma_start3A_536, %dma_start3A_537] : memref<768x224x224xf32, #tpu.memory_space<hbm>> -> memref<1x224x224xf32, #tpu.memory_space<hbm>>
    %dma_start3A_539 = arith.constant 0 : i32
    %dma_start3A_540 = arith.constant 0 : i32
    %dma_start3A_541 = tpu.memref_slice %arg2[%add3A_535, %dma_start3A_539, %dma_start3A_540] : memref<768x224x224xf32, #tpu.memory_space<hbm>> -> memref<1x224x224xf32, #tpu.memory_space<hbm>>
    tpu.enqueue_dma source(%dma_start3A_541 : memref<1x224x224xf32, #tpu.memory_space<hbm>>) target(%arg5 : memref<1x224x224xf32, #tpu.memory_space<vmem>>) target_semaphore(%arg7 : memref<!tpu.dma_semaphore, #tpu.memory_space<semaphore_mem>>)
    %dma_wait3A_542 = arith.constant 0 : i32
    %dma_wait3A_543 = arith.constant 0 : i32
    %dma_wait3A_544 = tpu.memref_slice %arg2[%add3A_507, %dma_wait3A_542, %dma_wait3A_543] : memref<768x224x224xf32, #tpu.memory_space<hbm>> -> memref<1x224x224xf32, #tpu.memory_space<hbm>>
    %dma_wait3A_545 = arith.constant 0 : i32
    %dma_wait3A_546 = arith.constant 0 : i32
    %dma_wait3A_547 = tpu.memref_slice %arg2[%add3A_507, %dma_wait3A_545, %dma_wait3A_546] : memref<768x224x224xf32, #tpu.memory_space<hbm>> -> memref<1x224x224xf32, #tpu.memory_space<hbm>>
    tpu.wait_dma2 semaphore(%arg6 : memref<!tpu.dma_semaphore, #tpu.memory_space<semaphore_mem>>) src(%dma_wait3A_547 : memref<1x224x224xf32, #tpu.memory_space<hbm>>) dst(%arg4 : memref<1x224x224xf32, #tpu.memory_space<vmem>>)
    %add3A_548 = arith.constant 384 : i32
    %add3A_549 = arith.addi %add3A_548, %add3A : i32
    %dma_start3A_550 = arith.constant 0 : i32
    %dma_start3A_551 = arith.constant 0 : i32
    %dma_start3A_552 = tpu.memref_slice %arg3[%add3A_549, %dma_start3A_550, %dma_start3A_551] : memref<768x224x224xf32, #tpu.memory_space<hbm>> -> memref<1x224x224xf32, #tpu.memory_space<hbm>>
    %dma_start3A_553 = arith.constant 0 : i32
    %dma_start3A_554 = arith.constant 0 : i32
    %dma_start3A_555 = tpu.memref_slice %arg3[%add3A_549, %dma_start3A_553, %dma_start3A_554] : memref<768x224x224xf32, #tpu.memory_space<hbm>> -> memref<1x224x224xf32, #tpu.memory_space<hbm>>
    tpu.enqueue_dma source(%arg4 : memref<1x224x224xf32, #tpu.memory_space<vmem>>) target(%dma_start3A_555 : memref<1x224x224xf32, #tpu.memory_space<hbm>>) target_semaphore(%arg8 : memref<!tpu.dma_semaphore, #tpu.memory_space<semaphore_mem>>)
    %dma_wait3A_556 = arith.constant 0 : i32
    %dma_wait3A_557 = arith.constant 0 : i32
    %dma_wait3A_558 = tpu.memref_slice %arg3[%add3A_549, %dma_wait3A_556, %dma_wait3A_557] : memref<768x224x224xf32, #tpu.memory_space<hbm>> -> memref<1x224x224xf32, #tpu.memory_space<hbm>>
    %dma_wait3A_559 = arith.constant 0 : i32
    %dma_wait3A_560 = arith.constant 0 : i32
    %dma_wait3A_561 = tpu.memref_slice %arg3[%add3A_549, %dma_wait3A_559, %dma_wait3A_560] : memref<768x224x224xf32, #tpu.memory_space<hbm>> -> memref<1x224x224xf32, #tpu.memory_space<hbm>>
    tpu.wait_dma2 semaphore(%arg8 : memref<!tpu.dma_semaphore, #tpu.memory_space<semaphore_mem>>) src(%arg4 : memref<1x224x224xf32, #tpu.memory_space<vmem>>) dst(%dma_wait3A_561 : memref<1x224x224xf32, #tpu.memory_space<hbm>>)
    %add3A_562 = arith.constant 448 : i32
    %add3A_563 = arith.addi %add3A_562, %add3A_191 : i32
    %dma_start3A_564 = arith.constant 0 : i32
    %dma_start3A_565 = arith.constant 0 : i32
    %dma_start3A_566 = tpu.memref_slice %arg2[%add3A_563, %dma_start3A_564, %dma_start3A_565] : memref<768x224x224xf32, #tpu.memory_space<hbm>> -> memref<1x224x224xf32, #tpu.memory_space<hbm>>
    %dma_start3A_567 = arith.constant 0 : i32
    %dma_start3A_568 = arith.constant 0 : i32
    %dma_start3A_569 = tpu.memref_slice %arg2[%add3A_563, %dma_start3A_567, %dma_start3A_568] : memref<768x224x224xf32, #tpu.memory_space<hbm>> -> memref<1x224x224xf32, #tpu.memory_space<hbm>>
    tpu.enqueue_dma source(%dma_start3A_569 : memref<1x224x224xf32, #tpu.memory_space<hbm>>) target(%arg4 : memref<1x224x224xf32, #tpu.memory_space<vmem>>) target_semaphore(%arg6 : memref<!tpu.dma_semaphore, #tpu.memory_space<semaphore_mem>>)
    %dma_wait3A_570 = arith.constant 0 : i32
    %dma_wait3A_571 = arith.constant 0 : i32
    %dma_wait3A_572 = tpu.memref_slice %arg2[%add3A_535, %dma_wait3A_570, %dma_wait3A_571] : memref<768x224x224xf32, #tpu.memory_space<hbm>> -> memref<1x224x224xf32, #tpu.memory_space<hbm>>
    %dma_wait3A_573 = arith.constant 0 : i32
    %dma_wait3A_574 = arith.constant 0 : i32
    %dma_wait3A_575 = tpu.memref_slice %arg2[%add3A_535, %dma_wait3A_573, %dma_wait3A_574] : memref<768x224x224xf32, #tpu.memory_space<hbm>> -> memref<1x224x224xf32, #tpu.memory_space<hbm>>
    tpu.wait_dma2 semaphore(%arg7 : memref<!tpu.dma_semaphore, #tpu.memory_space<semaphore_mem>>) src(%dma_wait3A_575 : memref<1x224x224xf32, #tpu.memory_space<hbm>>) dst(%arg5 : memref<1x224x224xf32, #tpu.memory_space<vmem>>)
    %add3A_576 = arith.constant 416 : i32
    %add3A_577 = arith.addi %add3A_576, %add3A : i32
    %dma_start3A_578 = arith.constant 0 : i32
    %dma_start3A_579 = arith.constant 0 : i32
    %dma_start3A_580 = tpu.memref_slice %arg3[%add3A_577, %dma_start3A_578, %dma_start3A_579] : memref<768x224x224xf32, #tpu.memory_space<hbm>> -> memref<1x224x224xf32, #tpu.memory_space<hbm>>
    %dma_start3A_581 = arith.constant 0 : i32
    %dma_start3A_582 = arith.constant 0 : i32
    %dma_start3A_583 = tpu.memref_slice %arg3[%add3A_577, %dma_start3A_581, %dma_start3A_582] : memref<768x224x224xf32, #tpu.memory_space<hbm>> -> memref<1x224x224xf32, #tpu.memory_space<hbm>>
    tpu.enqueue_dma source(%arg5 : memref<1x224x224xf32, #tpu.memory_space<vmem>>) target(%dma_start3A_583 : memref<1x224x224xf32, #tpu.memory_space<hbm>>) target_semaphore(%arg9 : memref<!tpu.dma_semaphore, #tpu.memory_space<semaphore_mem>>)
    %dma_wait3A_584 = arith.constant 0 : i32
    %dma_wait3A_585 = arith.constant 0 : i32
    %dma_wait3A_586 = tpu.memref_slice %arg3[%add3A_577, %dma_wait3A_584, %dma_wait3A_585] : memref<768x224x224xf32, #tpu.memory_space<hbm>> -> memref<1x224x224xf32, #tpu.memory_space<hbm>>
    %dma_wait3A_587 = arith.constant 0 : i32
    %dma_wait3A_588 = arith.constant 0 : i32
    %dma_wait3A_589 = tpu.memref_slice %arg3[%add3A_577, %dma_wait3A_587, %dma_wait3A_588] : memref<768x224x224xf32, #tpu.memory_space<hbm>> -> memref<1x224x224xf32, #tpu.memory_space<hbm>>
    tpu.wait_dma2 semaphore(%arg9 : memref<!tpu.dma_semaphore, #tpu.memory_space<semaphore_mem>>) src(%arg5 : memref<1x224x224xf32, #tpu.memory_space<vmem>>) dst(%dma_wait3A_589 : memref<1x224x224xf32, #tpu.memory_space<hbm>>)
    %add3A_590 = arith.constant 480 : i32
    %add3A_591 = arith.addi %add3A_590, %add3A_191 : i32
    %dma_start3A_592 = arith.constant 0 : i32
    %dma_start3A_593 = arith.constant 0 : i32
    %dma_start3A_594 = tpu.memref_slice %arg2[%add3A_591, %dma_start3A_592, %dma_start3A_593] : memref<768x224x224xf32, #tpu.memory_space<hbm>> -> memref<1x224x224xf32, #tpu.memory_space<hbm>>
    %dma_start3A_595 = arith.constant 0 : i32
    %dma_start3A_596 = arith.constant 0 : i32
    %dma_start3A_597 = tpu.memref_slice %arg2[%add3A_591, %dma_start3A_595, %dma_start3A_596] : memref<768x224x224xf32, #tpu.memory_space<hbm>> -> memref<1x224x224xf32, #tpu.memory_space<hbm>>
    tpu.enqueue_dma source(%dma_start3A_597 : memref<1x224x224xf32, #tpu.memory_space<hbm>>) target(%arg5 : memref<1x224x224xf32, #tpu.memory_space<vmem>>) target_semaphore(%arg7 : memref<!tpu.dma_semaphore, #tpu.memory_space<semaphore_mem>>)
    %dma_wait3A_598 = arith.constant 0 : i32
    %dma_wait3A_599 = arith.constant 0 : i32
    %dma_wait3A_600 = tpu.memref_slice %arg2[%add3A_563, %dma_wait3A_598, %dma_wait3A_599] : memref<768x224x224xf32, #tpu.memory_space<hbm>> -> memref<1x224x224xf32, #tpu.memory_space<hbm>>
    %dma_wait3A_601 = arith.constant 0 : i32
    %dma_wait3A_602 = arith.constant 0 : i32
    %dma_wait3A_603 = tpu.memref_slice %arg2[%add3A_563, %dma_wait3A_601, %dma_wait3A_602] : memref<768x224x224xf32, #tpu.memory_space<hbm>> -> memref<1x224x224xf32, #tpu.memory_space<hbm>>
    tpu.wait_dma2 semaphore(%arg6 : memref<!tpu.dma_semaphore, #tpu.memory_space<semaphore_mem>>) src(%dma_wait3A_603 : memref<1x224x224xf32, #tpu.memory_space<hbm>>) dst(%arg4 : memref<1x224x224xf32, #tpu.memory_space<vmem>>)
    %add3A_604 = arith.constant 448 : i32
    %add3A_605 = arith.addi %add3A_604, %add3A : i32
    %dma_start3A_606 = arith.constant 0 : i32
    %dma_start3A_607 = arith.constant 0 : i32
    %dma_start3A_608 = tpu.memref_slice %arg3[%add3A_605, %dma_start3A_606, %dma_start3A_607] : memref<768x224x224xf32, #tpu.memory_space<hbm>> -> memref<1x224x224xf32, #tpu.memory_space<hbm>>
    %dma_start3A_609 = arith.constant 0 : i32
    %dma_start3A_610 = arith.constant 0 : i32
    %dma_start3A_611 = tpu.memref_slice %arg3[%add3A_605, %dma_start3A_609, %dma_start3A_610] : memref<768x224x224xf32, #tpu.memory_space<hbm>> -> memref<1x224x224xf32, #tpu.memory_space<hbm>>
    tpu.enqueue_dma source(%arg4 : memref<1x224x224xf32, #tpu.memory_space<vmem>>) target(%dma_start3A_611 : memref<1x224x224xf32, #tpu.memory_space<hbm>>) target_semaphore(%arg8 : memref<!tpu.dma_semaphore, #tpu.memory_space<semaphore_mem>>)
    %dma_wait3A_612 = arith.constant 0 : i32
    %dma_wait3A_613 = arith.constant 0 : i32
    %dma_wait3A_614 = tpu.memref_slice %arg3[%add3A_605, %dma_wait3A_612, %dma_wait3A_613] : memref<768x224x224xf32, #tpu.memory_space<hbm>> -> memref<1x224x224xf32, #tpu.memory_space<hbm>>
    %dma_wait3A_615 = arith.constant 0 : i32
    %dma_wait3A_616 = arith.constant 0 : i32
    %dma_wait3A_617 = tpu.memref_slice %arg3[%add3A_605, %dma_wait3A_615, %dma_wait3A_616] : memref<768x224x224xf32, #tpu.memory_space<hbm>> -> memref<1x224x224xf32, #tpu.memory_space<hbm>>
    tpu.wait_dma2 semaphore(%arg8 : memref<!tpu.dma_semaphore, #tpu.memory_space<semaphore_mem>>) src(%arg4 : memref<1x224x224xf32, #tpu.memory_space<vmem>>) dst(%dma_wait3A_617 : memref<1x224x224xf32, #tpu.memory_space<hbm>>)
    %add3A_618 = arith.constant 512 : i32
    %add3A_619 = arith.addi %add3A_618, %add3A_191 : i32
    %dma_start3A_620 = arith.constant 0 : i32
    %dma_start3A_621 = arith.constant 0 : i32
    %dma_start3A_622 = tpu.memref_slice %arg2[%add3A_619, %dma_start3A_620, %dma_start3A_621] : memref<768x224x224xf32, #tpu.memory_space<hbm>> -> memref<1x224x224xf32, #tpu.memory_space<hbm>>
    %dma_start3A_623 = arith.constant 0 : i32
    %dma_start3A_624 = arith.constant 0 : i32
    %dma_start3A_625 = tpu.memref_slice %arg2[%add3A_619, %dma_start3A_623, %dma_start3A_624] : memref<768x224x224xf32, #tpu.memory_space<hbm>> -> memref<1x224x224xf32, #tpu.memory_space<hbm>>
    tpu.enqueue_dma source(%dma_start3A_625 : memref<1x224x224xf32, #tpu.memory_space<hbm>>) target(%arg4 : memref<1x224x224xf32, #tpu.memory_space<vmem>>) target_semaphore(%arg6 : memref<!tpu.dma_semaphore, #tpu.memory_space<semaphore_mem>>)
    %dma_wait3A_626 = arith.constant 0 : i32
    %dma_wait3A_627 = arith.constant 0 : i32
    %dma_wait3A_628 = tpu.memref_slice %arg2[%add3A_591, %dma_wait3A_626, %dma_wait3A_627] : memref<768x224x224xf32, #tpu.memory_space<hbm>> -> memref<1x224x224xf32, #tpu.memory_space<hbm>>
    %dma_wait3A_629 = arith.constant 0 : i32
    %dma_wait3A_630 = arith.constant 0 : i32
    %dma_wait3A_631 = tpu.memref_slice %arg2[%add3A_591, %dma_wait3A_629, %dma_wait3A_630] : memref<768x224x224xf32, #tpu.memory_space<hbm>> -> memref<1x224x224xf32, #tpu.memory_space<hbm>>
    tpu.wait_dma2 semaphore(%arg7 : memref<!tpu.dma_semaphore, #tpu.memory_space<semaphore_mem>>) src(%dma_wait3A_631 : memref<1x224x224xf32, #tpu.memory_space<hbm>>) dst(%arg5 : memref<1x224x224xf32, #tpu.memory_space<vmem>>)
    %add3A_632 = arith.constant 480 : i32
    %add3A_633 = arith.addi %add3A_632, %add3A : i32
    %dma_start3A_634 = arith.constant 0 : i32
    %dma_start3A_635 = arith.constant 0 : i32
    %dma_start3A_636 = tpu.memref_slice %arg3[%add3A_633, %dma_start3A_634, %dma_start3A_635] : memref<768x224x224xf32, #tpu.memory_space<hbm>> -> memref<1x224x224xf32, #tpu.memory_space<hbm>>
    %dma_start3A_637 = arith.constant 0 : i32
    %dma_start3A_638 = arith.constant 0 : i32
    %dma_start3A_639 = tpu.memref_slice %arg3[%add3A_633, %dma_start3A_637, %dma_start3A_638] : memref<768x224x224xf32, #tpu.memory_space<hbm>> -> memref<1x224x224xf32, #tpu.memory_space<hbm>>
    tpu.enqueue_dma source(%arg5 : memref<1x224x224xf32, #tpu.memory_space<vmem>>) target(%dma_start3A_639 : memref<1x224x224xf32, #tpu.memory_space<hbm>>) target_semaphore(%arg9 : memref<!tpu.dma_semaphore, #tpu.memory_space<semaphore_mem>>)
    %dma_wait3A_640 = arith.constant 0 : i32
    %dma_wait3A_641 = arith.constant 0 : i32
    %dma_wait3A_642 = tpu.memref_slice %arg3[%add3A_633, %dma_wait3A_640, %dma_wait3A_641] : memref<768x224x224xf32, #tpu.memory_space<hbm>> -> memref<1x224x224xf32, #tpu.memory_space<hbm>>
    %dma_wait3A_643 = arith.constant 0 : i32
    %dma_wait3A_644 = arith.constant 0 : i32
    %dma_wait3A_645 = tpu.memref_slice %arg3[%add3A_633, %dma_wait3A_643, %dma_wait3A_644] : memref<768x224x224xf32, #tpu.memory_space<hbm>> -> memref<1x224x224xf32, #tpu.memory_space<hbm>>
    tpu.wait_dma2 semaphore(%arg9 : memref<!tpu.dma_semaphore, #tpu.memory_space<semaphore_mem>>) src(%arg5 : memref<1x224x224xf32, #tpu.memory_space<vmem>>) dst(%dma_wait3A_645 : memref<1x224x224xf32, #tpu.memory_space<hbm>>)
    %add3A_646 = arith.constant 544 : i32
    %add3A_647 = arith.addi %add3A_646, %add3A_191 : i32
    %dma_start3A_648 = arith.constant 0 : i32
    %dma_start3A_649 = arith.constant 0 : i32
    %dma_start3A_650 = tpu.memref_slice %arg2[%add3A_647, %dma_start3A_648, %dma_start3A_649] : memref<768x224x224xf32, #tpu.memory_space<hbm>> -> memref<1x224x224xf32, #tpu.memory_space<hbm>>
    %dma_start3A_651 = arith.constant 0 : i32
    %dma_start3A_652 = arith.constant 0 : i32
    %dma_start3A_653 = tpu.memref_slice %arg2[%add3A_647, %dma_start3A_651, %dma_start3A_652] : memref<768x224x224xf32, #tpu.memory_space<hbm>> -> memref<1x224x224xf32, #tpu.memory_space<hbm>>
    tpu.enqueue_dma source(%dma_start3A_653 : memref<1x224x224xf32, #tpu.memory_space<hbm>>) target(%arg5 : memref<1x224x224xf32, #tpu.memory_space<vmem>>) target_semaphore(%arg7 : memref<!tpu.dma_semaphore, #tpu.memory_space<semaphore_mem>>)
    %dma_wait3A_654 = arith.constant 0 : i32
    %dma_wait3A_655 = arith.constant 0 : i32
    %dma_wait3A_656 = tpu.memref_slice %arg2[%add3A_619, %dma_wait3A_654, %dma_wait3A_655] : memref<768x224x224xf32, #tpu.memory_space<hbm>> -> memref<1x224x224xf32, #tpu.memory_space<hbm>>
    %dma_wait3A_657 = arith.constant 0 : i32
    %dma_wait3A_658 = arith.constant 0 : i32
    %dma_wait3A_659 = tpu.memref_slice %arg2[%add3A_619, %dma_wait3A_657, %dma_wait3A_658] : memref<768x224x224xf32, #tpu.memory_space<hbm>> -> memref<1x224x224xf32, #tpu.memory_space<hbm>>
    tpu.wait_dma2 semaphore(%arg6 : memref<!tpu.dma_semaphore, #tpu.memory_space<semaphore_mem>>) src(%dma_wait3A_659 : memref<1x224x224xf32, #tpu.memory_space<hbm>>) dst(%arg4 : memref<1x224x224xf32, #tpu.memory_space<vmem>>)
    %add3A_660 = arith.constant 512 : i32
    %add3A_661 = arith.addi %add3A_660, %add3A : i32
    %dma_start3A_662 = arith.constant 0 : i32
    %dma_start3A_663 = arith.constant 0 : i32
    %dma_start3A_664 = tpu.memref_slice %arg3[%add3A_661, %dma_start3A_662, %dma_start3A_663] : memref<768x224x224xf32, #tpu.memory_space<hbm>> -> memref<1x224x224xf32, #tpu.memory_space<hbm>>
    %dma_start3A_665 = arith.constant 0 : i32
    %dma_start3A_666 = arith.constant 0 : i32
    %dma_start3A_667 = tpu.memref_slice %arg3[%add3A_661, %dma_start3A_665, %dma_start3A_666] : memref<768x224x224xf32, #tpu.memory_space<hbm>> -> memref<1x224x224xf32, #tpu.memory_space<hbm>>
    tpu.enqueue_dma source(%arg4 : memref<1x224x224xf32, #tpu.memory_space<vmem>>) target(%dma_start3A_667 : memref<1x224x224xf32, #tpu.memory_space<hbm>>) target_semaphore(%arg8 : memref<!tpu.dma_semaphore, #tpu.memory_space<semaphore_mem>>)
    %dma_wait3A_668 = arith.constant 0 : i32
    %dma_wait3A_669 = arith.constant 0 : i32
    %dma_wait3A_670 = tpu.memref_slice %arg3[%add3A_661, %dma_wait3A_668, %dma_wait3A_669] : memref<768x224x224xf32, #tpu.memory_space<hbm>> -> memref<1x224x224xf32, #tpu.memory_space<hbm>>
    %dma_wait3A_671 = arith.constant 0 : i32
    %dma_wait3A_672 = arith.constant 0 : i32
    %dma_wait3A_673 = tpu.memref_slice %arg3[%add3A_661, %dma_wait3A_671, %dma_wait3A_672] : memref<768x224x224xf32, #tpu.memory_space<hbm>> -> memref<1x224x224xf32, #tpu.memory_space<hbm>>
    tpu.wait_dma2 semaphore(%arg8 : memref<!tpu.dma_semaphore, #tpu.memory_space<semaphore_mem>>) src(%arg4 : memref<1x224x224xf32, #tpu.memory_space<vmem>>) dst(%dma_wait3A_673 : memref<1x224x224xf32, #tpu.memory_space<hbm>>)
    %add3A_674 = arith.constant 576 : i32
    %add3A_675 = arith.addi %add3A_674, %add3A_191 : i32
    %dma_start3A_676 = arith.constant 0 : i32
    %dma_start3A_677 = arith.constant 0 : i32
    %dma_start3A_678 = tpu.memref_slice %arg2[%add3A_675, %dma_start3A_676, %dma_start3A_677] : memref<768x224x224xf32, #tpu.memory_space<hbm>> -> memref<1x224x224xf32, #tpu.memory_space<hbm>>
    %dma_start3A_679 = arith.constant 0 : i32
    %dma_start3A_680 = arith.constant 0 : i32
    %dma_start3A_681 = tpu.memref_slice %arg2[%add3A_675, %dma_start3A_679, %dma_start3A_680] : memref<768x224x224xf32, #tpu.memory_space<hbm>> -> memref<1x224x224xf32, #tpu.memory_space<hbm>>
    tpu.enqueue_dma source(%dma_start3A_681 : memref<1x224x224xf32, #tpu.memory_space<hbm>>) target(%arg4 : memref<1x224x224xf32, #tpu.memory_space<vmem>>) target_semaphore(%arg6 : memref<!tpu.dma_semaphore, #tpu.memory_space<semaphore_mem>>)
    %dma_wait3A_682 = arith.constant 0 : i32
    %dma_wait3A_683 = arith.constant 0 : i32
    %dma_wait3A_684 = tpu.memref_slice %arg2[%add3A_647, %dma_wait3A_682, %dma_wait3A_683] : memref<768x224x224xf32, #tpu.memory_space<hbm>> -> memref<1x224x224xf32, #tpu.memory_space<hbm>>
    %dma_wait3A_685 = arith.constant 0 : i32
    %dma_wait3A_686 = arith.constant 0 : i32
    %dma_wait3A_687 = tpu.memref_slice %arg2[%add3A_647, %dma_wait3A_685, %dma_wait3A_686] : memref<768x224x224xf32, #tpu.memory_space<hbm>> -> memref<1x224x224xf32, #tpu.memory_space<hbm>>
    tpu.wait_dma2 semaphore(%arg7 : memref<!tpu.dma_semaphore, #tpu.memory_space<semaphore_mem>>) src(%dma_wait3A_687 : memref<1x224x224xf32, #tpu.memory_space<hbm>>) dst(%arg5 : memref<1x224x224xf32, #tpu.memory_space<vmem>>)
    %add3A_688 = arith.constant 544 : i32
    %add3A_689 = arith.addi %add3A_688, %add3A : i32
    %dma_start3A_690 = arith.constant 0 : i32
    %dma_start3A_691 = arith.constant 0 : i32
    %dma_start3A_692 = tpu.memref_slice %arg3[%add3A_689, %dma_start3A_690, %dma_start3A_691] : memref<768x224x224xf32, #tpu.memory_space<hbm>> -> memref<1x224x224xf32, #tpu.memory_space<hbm>>
    %dma_start3A_693 = arith.constant 0 : i32
    %dma_start3A_694 = arith.constant 0 : i32
    %dma_start3A_695 = tpu.memref_slice %arg3[%add3A_689, %dma_start3A_693, %dma_start3A_694] : memref<768x224x224xf32, #tpu.memory_space<hbm>> -> memref<1x224x224xf32, #tpu.memory_space<hbm>>
    tpu.enqueue_dma source(%arg5 : memref<1x224x224xf32, #tpu.memory_space<vmem>>) target(%dma_start3A_695 : memref<1x224x224xf32, #tpu.memory_space<hbm>>) target_semaphore(%arg9 : memref<!tpu.dma_semaphore, #tpu.memory_space<semaphore_mem>>)
    %dma_wait3A_696 = arith.constant 0 : i32
    %dma_wait3A_697 = arith.constant 0 : i32
    %dma_wait3A_698 = tpu.memref_slice %arg3[%add3A_689, %dma_wait3A_696, %dma_wait3A_697] : memref<768x224x224xf32, #tpu.memory_space<hbm>> -> memref<1x224x224xf32, #tpu.memory_space<hbm>>
    %dma_wait3A_699 = arith.constant 0 : i32
    %dma_wait3A_700 = arith.constant 0 : i32
    %dma_wait3A_701 = tpu.memref_slice %arg3[%add3A_689, %dma_wait3A_699, %dma_wait3A_700] : memref<768x224x224xf32, #tpu.memory_space<hbm>> -> memref<1x224x224xf32, #tpu.memory_space<hbm>>
    tpu.wait_dma2 semaphore(%arg9 : memref<!tpu.dma_semaphore, #tpu.memory_space<semaphore_mem>>) src(%arg5 : memref<1x224x224xf32, #tpu.memory_space<vmem>>) dst(%dma_wait3A_701 : memref<1x224x224xf32, #tpu.memory_space<hbm>>)
    %add3A_702 = arith.constant 608 : i32
    %add3A_703 = arith.addi %add3A_702, %add3A_191 : i32
    %dma_start3A_704 = arith.constant 0 : i32
    %dma_start3A_705 = arith.constant 0 : i32
    %dma_start3A_706 = tpu.memref_slice %arg2[%add3A_703, %dma_start3A_704, %dma_start3A_705] : memref<768x224x224xf32, #tpu.memory_space<hbm>> -> memref<1x224x224xf32, #tpu.memory_space<hbm>>
    %dma_start3A_707 = arith.constant 0 : i32
    %dma_start3A_708 = arith.constant 0 : i32
    %dma_start3A_709 = tpu.memref_slice %arg2[%add3A_703, %dma_start3A_707, %dma_start3A_708] : memref<768x224x224xf32, #tpu.memory_space<hbm>> -> memref<1x224x224xf32, #tpu.memory_space<hbm>>
    tpu.enqueue_dma source(%dma_start3A_709 : memref<1x224x224xf32, #tpu.memory_space<hbm>>) target(%arg5 : memref<1x224x224xf32, #tpu.memory_space<vmem>>) target_semaphore(%arg7 : memref<!tpu.dma_semaphore, #tpu.memory_space<semaphore_mem>>)
    %dma_wait3A_710 = arith.constant 0 : i32
    %dma_wait3A_711 = arith.constant 0 : i32
    %dma_wait3A_712 = tpu.memref_slice %arg2[%add3A_675, %dma_wait3A_710, %dma_wait3A_711] : memref<768x224x224xf32, #tpu.memory_space<hbm>> -> memref<1x224x224xf32, #tpu.memory_space<hbm>>
    %dma_wait3A_713 = arith.constant 0 : i32
    %dma_wait3A_714 = arith.constant 0 : i32
    %dma_wait3A_715 = tpu.memref_slice %arg2[%add3A_675, %dma_wait3A_713, %dma_wait3A_714] : memref<768x224x224xf32, #tpu.memory_space<hbm>> -> memref<1x224x224xf32, #tpu.memory_space<hbm>>
    tpu.wait_dma2 semaphore(%arg6 : memref<!tpu.dma_semaphore, #tpu.memory_space<semaphore_mem>>) src(%dma_wait3A_715 : memref<1x224x224xf32, #tpu.memory_space<hbm>>) dst(%arg4 : memref<1x224x224xf32, #tpu.memory_space<vmem>>)
    %add3A_716 = arith.constant 576 : i32
    %add3A_717 = arith.addi %add3A_716, %add3A : i32
    %dma_start3A_718 = arith.constant 0 : i32
    %dma_start3A_719 = arith.constant 0 : i32
    %dma_start3A_720 = tpu.memref_slice %arg3[%add3A_717, %dma_start3A_718, %dma_start3A_719] : memref<768x224x224xf32, #tpu.memory_space<hbm>> -> memref<1x224x224xf32, #tpu.memory_space<hbm>>
    %dma_start3A_721 = arith.constant 0 : i32
    %dma_start3A_722 = arith.constant 0 : i32
    %dma_start3A_723 = tpu.memref_slice %arg3[%add3A_717, %dma_start3A_721, %dma_start3A_722] : memref<768x224x224xf32, #tpu.memory_space<hbm>> -> memref<1x224x224xf32, #tpu.memory_space<hbm>>
    tpu.enqueue_dma source(%arg4 : memref<1x224x224xf32, #tpu.memory_space<vmem>>) target(%dma_start3A_723 : memref<1x224x224xf32, #tpu.memory_space<hbm>>) target_semaphore(%arg8 : memref<!tpu.dma_semaphore, #tpu.memory_space<semaphore_mem>>)
    %dma_wait3A_724 = arith.constant 0 : i32
    %dma_wait3A_725 = arith.constant 0 : i32
    %dma_wait3A_726 = tpu.memref_slice %arg3[%add3A_717, %dma_wait3A_724, %dma_wait3A_725] : memref<768x224x224xf32, #tpu.memory_space<hbm>> -> memref<1x224x224xf32, #tpu.memory_space<hbm>>
    %dma_wait3A_727 = arith.constant 0 : i32
    %dma_wait3A_728 = arith.constant 0 : i32
    %dma_wait3A_729 = tpu.memref_slice %arg3[%add3A_717, %dma_wait3A_727, %dma_wait3A_728] : memref<768x224x224xf32, #tpu.memory_space<hbm>> -> memref<1x224x224xf32, #tpu.memory_space<hbm>>
    tpu.wait_dma2 semaphore(%arg8 : memref<!tpu.dma_semaphore, #tpu.memory_space<semaphore_mem>>) src(%arg4 : memref<1x224x224xf32, #tpu.memory_space<vmem>>) dst(%dma_wait3A_729 : memref<1x224x224xf32, #tpu.memory_space<hbm>>)
    %add3A_730 = arith.constant 640 : i32
    %add3A_731 = arith.addi %add3A_730, %add3A_191 : i32
    %dma_start3A_732 = arith.constant 0 : i32
    %dma_start3A_733 = arith.constant 0 : i32
    %dma_start3A_734 = tpu.memref_slice %arg2[%add3A_731, %dma_start3A_732, %dma_start3A_733] : memref<768x224x224xf32, #tpu.memory_space<hbm>> -> memref<1x224x224xf32, #tpu.memory_space<hbm>>
    %dma_start3A_735 = arith.constant 0 : i32
    %dma_start3A_736 = arith.constant 0 : i32
    %dma_start3A_737 = tpu.memref_slice %arg2[%add3A_731, %dma_start3A_735, %dma_start3A_736] : memref<768x224x224xf32, #tpu.memory_space<hbm>> -> memref<1x224x224xf32, #tpu.memory_space<hbm>>
    tpu.enqueue_dma source(%dma_start3A_737 : memref<1x224x224xf32, #tpu.memory_space<hbm>>) target(%arg4 : memref<1x224x224xf32, #tpu.memory_space<vmem>>) target_semaphore(%arg6 : memref<!tpu.dma_semaphore, #tpu.memory_space<semaphore_mem>>)
    %dma_wait3A_738 = arith.constant 0 : i32
    %dma_wait3A_739 = arith.constant 0 : i32
    %dma_wait3A_740 = tpu.memref_slice %arg2[%add3A_703, %dma_wait3A_738, %dma_wait3A_739] : memref<768x224x224xf32, #tpu.memory_space<hbm>> -> memref<1x224x224xf32, #tpu.memory_space<hbm>>
    %dma_wait3A_741 = arith.constant 0 : i32
    %dma_wait3A_742 = arith.constant 0 : i32
    %dma_wait3A_743 = tpu.memref_slice %arg2[%add3A_703, %dma_wait3A_741, %dma_wait3A_742] : memref<768x224x224xf32, #tpu.memory_space<hbm>> -> memref<1x224x224xf32, #tpu.memory_space<hbm>>
    tpu.wait_dma2 semaphore(%arg7 : memref<!tpu.dma_semaphore, #tpu.memory_space<semaphore_mem>>) src(%dma_wait3A_743 : memref<1x224x224xf32, #tpu.memory_space<hbm>>) dst(%arg5 : memref<1x224x224xf32, #tpu.memory_space<vmem>>)
    %add3A_744 = arith.constant 608 : i32
    %add3A_745 = arith.addi %add3A_744, %add3A : i32
    %dma_start3A_746 = arith.constant 0 : i32
    %dma_start3A_747 = arith.constant 0 : i32
    %dma_start3A_748 = tpu.memref_slice %arg3[%add3A_745, %dma_start3A_746, %dma_start3A_747] : memref<768x224x224xf32, #tpu.memory_space<hbm>> -> memref<1x224x224xf32, #tpu.memory_space<hbm>>
    %dma_start3A_749 = arith.constant 0 : i32
    %dma_start3A_750 = arith.constant 0 : i32
    %dma_start3A_751 = tpu.memref_slice %arg3[%add3A_745, %dma_start3A_749, %dma_start3A_750] : memref<768x224x224xf32, #tpu.memory_space<hbm>> -> memref<1x224x224xf32, #tpu.memory_space<hbm>>
    tpu.enqueue_dma source(%arg5 : memref<1x224x224xf32, #tpu.memory_space<vmem>>) target(%dma_start3A_751 : memref<1x224x224xf32, #tpu.memory_space<hbm>>) target_semaphore(%arg9 : memref<!tpu.dma_semaphore, #tpu.memory_space<semaphore_mem>>)
    %dma_wait3A_752 = arith.constant 0 : i32
    %dma_wait3A_753 = arith.constant 0 : i32
    %dma_wait3A_754 = tpu.memref_slice %arg3[%add3A_745, %dma_wait3A_752, %dma_wait3A_753] : memref<768x224x224xf32, #tpu.memory_space<hbm>> -> memref<1x224x224xf32, #tpu.memory_space<hbm>>
    %dma_wait3A_755 = arith.constant 0 : i32
    %dma_wait3A_756 = arith.constant 0 : i32
    %dma_wait3A_757 = tpu.memref_slice %arg3[%add3A_745, %dma_wait3A_755, %dma_wait3A_756] : memref<768x224x224xf32, #tpu.memory_space<hbm>> -> memref<1x224x224xf32, #tpu.memory_space<hbm>>
    tpu.wait_dma2 semaphore(%arg9 : memref<!tpu.dma_semaphore, #tpu.memory_space<semaphore_mem>>) src(%arg5 : memref<1x224x224xf32, #tpu.memory_space<vmem>>) dst(%dma_wait3A_757 : memref<1x224x224xf32, #tpu.memory_space<hbm>>)
    %add3A_758 = arith.constant 672 : i32
    %add3A_759 = arith.addi %add3A_758, %add3A_191 : i32
    %dma_start3A_760 = arith.constant 0 : i32
    %dma_start3A_761 = arith.constant 0 : i32
    %dma_start3A_762 = tpu.memref_slice %arg2[%add3A_759, %dma_start3A_760, %dma_start3A_761] : memref<768x224x224xf32, #tpu.memory_space<hbm>> -> memref<1x224x224xf32, #tpu.memory_space<hbm>>
    %dma_start3A_763 = arith.constant 0 : i32
    %dma_start3A_764 = arith.constant 0 : i32
    %dma_start3A_765 = tpu.memref_slice %arg2[%add3A_759, %dma_start3A_763, %dma_start3A_764] : memref<768x224x224xf32, #tpu.memory_space<hbm>> -> memref<1x224x224xf32, #tpu.memory_space<hbm>>
    tpu.enqueue_dma source(%dma_start3A_765 : memref<1x224x224xf32, #tpu.memory_space<hbm>>) target(%arg5 : memref<1x224x224xf32, #tpu.memory_space<vmem>>) target_semaphore(%arg7 : memref<!tpu.dma_semaphore, #tpu.memory_space<semaphore_mem>>)
    %dma_wait3A_766 = arith.constant 0 : i32
    %dma_wait3A_767 = arith.constant 0 : i32
    %dma_wait3A_768 = tpu.memref_slice %arg2[%add3A_731, %dma_wait3A_766, %dma_wait3A_767] : memref<768x224x224xf32, #tpu.memory_space<hbm>> -> memref<1x224x224xf32, #tpu.memory_space<hbm>>
    %dma_wait3A_769 = arith.constant 0 : i32
    %dma_wait3A_770 = arith.constant 0 : i32
    %dma_wait3A_771 = tpu.memref_slice %arg2[%add3A_731, %dma_wait3A_769, %dma_wait3A_770] : memref<768x224x224xf32, #tpu.memory_space<hbm>> -> memref<1x224x224xf32, #tpu.memory_space<hbm>>
    tpu.wait_dma2 semaphore(%arg6 : memref<!tpu.dma_semaphore, #tpu.memory_space<semaphore_mem>>) src(%dma_wait3A_771 : memref<1x224x224xf32, #tpu.memory_space<hbm>>) dst(%arg4 : memref<1x224x224xf32, #tpu.memory_space<vmem>>)
    %add3A_772 = arith.constant 640 : i32
    %add3A_773 = arith.addi %add3A_772, %add3A : i32
    %dma_start3A_774 = arith.constant 0 : i32
    %dma_start3A_775 = arith.constant 0 : i32
    %dma_start3A_776 = tpu.memref_slice %arg3[%add3A_773, %dma_start3A_774, %dma_start3A_775] : memref<768x224x224xf32, #tpu.memory_space<hbm>> -> memref<1x224x224xf32, #tpu.memory_space<hbm>>
    %dma_start3A_777 = arith.constant 0 : i32
    %dma_start3A_778 = arith.constant 0 : i32
    %dma_start3A_779 = tpu.memref_slice %arg3[%add3A_773, %dma_start3A_777, %dma_start3A_778] : memref<768x224x224xf32, #tpu.memory_space<hbm>> -> memref<1x224x224xf32, #tpu.memory_space<hbm>>
    tpu.enqueue_dma source(%arg4 : memref<1x224x224xf32, #tpu.memory_space<vmem>>) target(%dma_start3A_779 : memref<1x224x224xf32, #tpu.memory_space<hbm>>) target_semaphore(%arg8 : memref<!tpu.dma_semaphore, #tpu.memory_space<semaphore_mem>>)
    %dma_wait3A_780 = arith.constant 0 : i32
    %dma_wait3A_781 = arith.constant 0 : i32
    %dma_wait3A_782 = tpu.memref_slice %arg3[%add3A_773, %dma_wait3A_780, %dma_wait3A_781] : memref<768x224x224xf32, #tpu.memory_space<hbm>> -> memref<1x224x224xf32, #tpu.memory_space<hbm>>
    %dma_wait3A_783 = arith.constant 0 : i32
    %dma_wait3A_784 = arith.constant 0 : i32
    %dma_wait3A_785 = tpu.memref_slice %arg3[%add3A_773, %dma_wait3A_783, %dma_wait3A_784] : memref<768x224x224xf32, #tpu.memory_space<hbm>> -> memref<1x224x224xf32, #tpu.memory_space<hbm>>
    tpu.wait_dma2 semaphore(%arg8 : memref<!tpu.dma_semaphore, #tpu.memory_space<semaphore_mem>>) src(%arg4 : memref<1x224x224xf32, #tpu.memory_space<vmem>>) dst(%dma_wait3A_785 : memref<1x224x224xf32, #tpu.memory_space<hbm>>)
    %add3A_786 = arith.constant 704 : i32
    %add3A_787 = arith.addi %add3A_786, %add3A_191 : i32
    %dma_start3A_788 = arith.constant 0 : i32
    %dma_start3A_789 = arith.constant 0 : i32
    %dma_start3A_790 = tpu.memref_slice %arg2[%add3A_787, %dma_start3A_788, %dma_start3A_789] : memref<768x224x224xf32, #tpu.memory_space<hbm>> -> memref<1x224x224xf32, #tpu.memory_space<hbm>>
    %dma_start3A_791 = arith.constant 0 : i32
    %dma_start3A_792 = arith.constant 0 : i32
    %dma_start3A_793 = tpu.memref_slice %arg2[%add3A_787, %dma_start3A_791, %dma_start3A_792] : memref<768x224x224xf32, #tpu.memory_space<hbm>> -> memref<1x224x224xf32, #tpu.memory_space<hbm>>
    tpu.enqueue_dma source(%dma_start3A_793 : memref<1x224x224xf32, #tpu.memory_space<hbm>>) target(%arg4 : memref<1x224x224xf32, #tpu.memory_space<vmem>>) target_semaphore(%arg6 : memref<!tpu.dma_semaphore, #tpu.memory_space<semaphore_mem>>)
    %dma_wait3A_794 = arith.constant 0 : i32
    %dma_wait3A_795 = arith.constant 0 : i32
    %dma_wait3A_796 = tpu.memref_slice %arg2[%add3A_759, %dma_wait3A_794, %dma_wait3A_795] : memref<768x224x224xf32, #tpu.memory_space<hbm>> -> memref<1x224x224xf32, #tpu.memory_space<hbm>>
    %dma_wait3A_797 = arith.constant 0 : i32
    %dma_wait3A_798 = arith.constant 0 : i32
    %dma_wait3A_799 = tpu.memref_slice %arg2[%add3A_759, %dma_wait3A_797, %dma_wait3A_798] : memref<768x224x224xf32, #tpu.memory_space<hbm>> -> memref<1x224x224xf32, #tpu.memory_space<hbm>>
    tpu.wait_dma2 semaphore(%arg7 : memref<!tpu.dma_semaphore, #tpu.memory_space<semaphore_mem>>) src(%dma_wait3A_799 : memref<1x224x224xf32, #tpu.memory_space<hbm>>) dst(%arg5 : memref<1x224x224xf32, #tpu.memory_space<vmem>>)
    %add3A_800 = arith.constant 672 : i32
    %add3A_801 = arith.addi %add3A_800, %add3A : i32
    %dma_start3A_802 = arith.constant 0 : i32
    %dma_start3A_803 = arith.constant 0 : i32
    %dma_start3A_804 = tpu.memref_slice %arg3[%add3A_801, %dma_start3A_802, %dma_start3A_803] : memref<768x224x224xf32, #tpu.memory_space<hbm>> -> memref<1x224x224xf32, #tpu.memory_space<hbm>>
    %dma_start3A_805 = arith.constant 0 : i32
    %dma_start3A_806 = arith.constant 0 : i32
    %dma_start3A_807 = tpu.memref_slice %arg3[%add3A_801, %dma_start3A_805, %dma_start3A_806] : memref<768x224x224xf32, #tpu.memory_space<hbm>> -> memref<1x224x224xf32, #tpu.memory_space<hbm>>
    tpu.enqueue_dma source(%arg5 : memref<1x224x224xf32, #tpu.memory_space<vmem>>) target(%dma_start3A_807 : memref<1x224x224xf32, #tpu.memory_space<hbm>>) target_semaphore(%arg9 : memref<!tpu.dma_semaphore, #tpu.memory_space<semaphore_mem>>)
    %dma_wait3A_808 = arith.constant 0 : i32
    %dma_wait3A_809 = arith.constant 0 : i32
    %dma_wait3A_810 = tpu.memref_slice %arg3[%add3A_801, %dma_wait3A_808, %dma_wait3A_809] : memref<768x224x224xf32, #tpu.memory_space<hbm>> -> memref<1x224x224xf32, #tpu.memory_space<hbm>>
    %dma_wait3A_811 = arith.constant 0 : i32
    %dma_wait3A_812 = arith.constant 0 : i32
    %dma_wait3A_813 = tpu.memref_slice %arg3[%add3A_801, %dma_wait3A_811, %dma_wait3A_812] : memref<768x224x224xf32, #tpu.memory_space<hbm>> -> memref<1x224x224xf32, #tpu.memory_space<hbm>>
    tpu.wait_dma2 semaphore(%arg9 : memref<!tpu.dma_semaphore, #tpu.memory_space<semaphore_mem>>) src(%arg5 : memref<1x224x224xf32, #tpu.memory_space<vmem>>) dst(%dma_wait3A_813 : memref<1x224x224xf32, #tpu.memory_space<hbm>>)
    %add3A_814 = arith.constant 736 : i32
    %add3A_815 = arith.addi %add3A_814, %add3A_191 : i32
    %dma_start3A_816 = arith.constant 0 : i32
    %dma_start3A_817 = arith.constant 0 : i32
    %dma_start3A_818 = tpu.memref_slice %arg2[%add3A_815, %dma_start3A_816, %dma_start3A_817] : memref<768x224x224xf32, #tpu.memory_space<hbm>> -> memref<1x224x224xf32, #tpu.memory_space<hbm>>
    %dma_start3A_819 = arith.constant 0 : i32
    %dma_start3A_820 = arith.constant 0 : i32
    %dma_start3A_821 = tpu.memref_slice %arg2[%add3A_815, %dma_start3A_819, %dma_start3A_820] : memref<768x224x224xf32, #tpu.memory_space<hbm>> -> memref<1x224x224xf32, #tpu.memory_space<hbm>>
    tpu.enqueue_dma source(%dma_start3A_821 : memref<1x224x224xf32, #tpu.memory_space<hbm>>) target(%arg5 : memref<1x224x224xf32, #tpu.memory_space<vmem>>) target_semaphore(%arg7 : memref<!tpu.dma_semaphore, #tpu.memory_space<semaphore_mem>>)
    %dma_wait3A_822 = arith.constant 0 : i32
    %dma_wait3A_823 = arith.constant 0 : i32
    %dma_wait3A_824 = tpu.memref_slice %arg2[%add3A_787, %dma_wait3A_822, %dma_wait3A_823] : memref<768x224x224xf32, #tpu.memory_space<hbm>> -> memref<1x224x224xf32, #tpu.memory_space<hbm>>
    %dma_wait3A_825 = arith.constant 0 : i32
    %dma_wait3A_826 = arith.constant 0 : i32
    %dma_wait3A_827 = tpu.memref_slice %arg2[%add3A_787, %dma_wait3A_825, %dma_wait3A_826] : memref<768x224x224xf32, #tpu.memory_space<hbm>> -> memref<1x224x224xf32, #tpu.memory_space<hbm>>
    tpu.wait_dma2 semaphore(%arg6 : memref<!tpu.dma_semaphore, #tpu.memory_space<semaphore_mem>>) src(%dma_wait3A_827 : memref<1x224x224xf32, #tpu.memory_space<hbm>>) dst(%arg4 : memref<1x224x224xf32, #tpu.memory_space<vmem>>)
    %add3A_828 = arith.constant 704 : i32
    %add3A_829 = arith.addi %add3A_828, %add3A : i32
    %dma_start3A_830 = arith.constant 0 : i32
    %dma_start3A_831 = arith.constant 0 : i32
    %dma_start3A_832 = tpu.memref_slice %arg3[%add3A_829, %dma_start3A_830, %dma_start3A_831] : memref<768x224x224xf32, #tpu.memory_space<hbm>> -> memref<1x224x224xf32, #tpu.memory_space<hbm>>
    %dma_start3A_833 = arith.constant 0 : i32
    %dma_start3A_834 = arith.constant 0 : i32
    %dma_start3A_835 = tpu.memref_slice %arg3[%add3A_829, %dma_start3A_833, %dma_start3A_834] : memref<768x224x224xf32, #tpu.memory_space<hbm>> -> memref<1x224x224xf32, #tpu.memory_space<hbm>>
    tpu.enqueue_dma source(%arg4 : memref<1x224x224xf32, #tpu.memory_space<vmem>>) target(%dma_start3A_835 : memref<1x224x224xf32, #tpu.memory_space<hbm>>) target_semaphore(%arg8 : memref<!tpu.dma_semaphore, #tpu.memory_space<semaphore_mem>>)
    %dma_wait3A_836 = arith.constant 0 : i32
    %dma_wait3A_837 = arith.constant 0 : i32
    %dma_wait3A_838 = tpu.memref_slice %arg2[%add3A_815, %dma_wait3A_836, %dma_wait3A_837] : memref<768x224x224xf32, #tpu.memory_space<hbm>> -> memref<1x224x224xf32, #tpu.memory_space<hbm>>
    %dma_wait3A_839 = arith.constant 0 : i32
    %dma_wait3A_840 = arith.constant 0 : i32
    %dma_wait3A_841 = tpu.memref_slice %arg2[%add3A_815, %dma_wait3A_839, %dma_wait3A_840] : memref<768x224x224xf32, #tpu.memory_space<hbm>> -> memref<1x224x224xf32, #tpu.memory_space<hbm>>
    tpu.wait_dma2 semaphore(%arg7 : memref<!tpu.dma_semaphore, #tpu.memory_space<semaphore_mem>>) src(%dma_wait3A_841 : memref<1x224x224xf32, #tpu.memory_space<hbm>>) dst(%arg5 : memref<1x224x224xf32, #tpu.memory_space<vmem>>)
    %add3A_842 = arith.constant 736 : i32
    %add3A_843 = arith.addi %add3A_842, %add3A : i32
    %dma_start3A_844 = arith.constant 0 : i32
    %dma_start3A_845 = arith.constant 0 : i32
    %dma_start3A_846 = tpu.memref_slice %arg3[%add3A_843, %dma_start3A_844, %dma_start3A_845] : memref<768x224x224xf32, #tpu.memory_space<hbm>> -> memref<1x224x224xf32, #tpu.memory_space<hbm>>
    %dma_start3A_847 = arith.constant 0 : i32
    %dma_start3A_848 = arith.constant 0 : i32
    %dma_start3A_849 = tpu.memref_slice %arg3[%add3A_843, %dma_start3A_847, %dma_start3A_848] : memref<768x224x224xf32, #tpu.memory_space<hbm>> -> memref<1x224x224xf32, #tpu.memory_space<hbm>>
    tpu.enqueue_dma source(%arg5 : memref<1x224x224xf32, #tpu.memory_space<vmem>>) target(%dma_start3A_849 : memref<1x224x224xf32, #tpu.memory_space<hbm>>) target_semaphore(%arg9 : memref<!tpu.dma_semaphore, #tpu.memory_space<semaphore_mem>>)
    %dma_wait3A_850 = arith.constant 0 : i32
    %dma_wait3A_851 = arith.constant 0 : i32
    %dma_wait3A_852 = tpu.memref_slice %arg3[%add3A_829, %dma_wait3A_850, %dma_wait3A_851] : memref<768x224x224xf32, #tpu.memory_space<hbm>> -> memref<1x224x224xf32, #tpu.memory_space<hbm>>
    %dma_wait3A_853 = arith.constant 0 : i32
    %dma_wait3A_854 = arith.constant 0 : i32
    %dma_wait3A_855 = tpu.memref_slice %arg3[%add3A_829, %dma_wait3A_853, %dma_wait3A_854] : memref<768x224x224xf32, #tpu.memory_space<hbm>> -> memref<1x224x224xf32, #tpu.memory_space<hbm>>
    tpu.wait_dma2 semaphore(%arg8 : memref<!tpu.dma_semaphore, #tpu.memory_space<semaphore_mem>>) src(%arg4 : memref<1x224x224xf32, #tpu.memory_space<vmem>>) dst(%dma_wait3A_855 : memref<1x224x224xf32, #tpu.memory_space<hbm>>)
    %dma_wait3A_856 = arith.constant 0 : i32
    %dma_wait3A_857 = arith.constant 0 : i32
    %dma_wait3A_858 = tpu.memref_slice %arg3[%add3A_843, %dma_wait3A_856, %dma_wait3A_857] : memref<768x224x224xf32, #tpu.memory_space<hbm>> -> memref<1x224x224xf32, #tpu.memory_space<hbm>>
    %dma_wait3A_859 = arith.constant 0 : i32
    %dma_wait3A_860 = arith.constant 0 : i32
    %dma_wait3A_861 = tpu.memref_slice %arg3[%add3A_843, %dma_wait3A_859, %dma_wait3A_860] : memref<768x224x224xf32, #tpu.memory_space<hbm>> -> memref<1x224x224xf32, #tpu.memory_space<hbm>>
    tpu.wait_dma2 semaphore(%arg9 : memref<!tpu.dma_semaphore, #tpu.memory_space<semaphore_mem>>) src(%arg5 : memref<1x224x224xf32, #tpu.memory_space<vmem>>) dst(%dma_wait3A_861 : memref<1x224x224xf32, #tpu.memory_space<hbm>>)
    return
  }
}

</mosaic_0001>

<sc_bundles>
// kernel: kernel.3.cloned.1.call-start
scs
__scs_entry_jumppad:
0x0: {  	(pc) =	sbr.rel $0x88, $3  }
0x1: {  	(tag) =	ssettag $0x0;
	lr =	simm.s32 $0x1  }
0x2: {  	[smem:$0x3FA0] =	sst lr;
	_ =	strace $0xD0000000  }
0x3: {  	_ = 	snop  }
0x4: {  	_ = 	snop  }
0x5: {  	_ = 	snop  }
0x6: {  	_ = 	snop  }
0x7: {  	_ = 	snop  }
__scs_overlays_trampoline_lowered:
0x8: {  	[smem:$0x3FAF] =	sst s0  }
0x9: {  	[smem:$0x3FB0] =	sst s1  }
0xa: {  	[smem:$0x3FB1] =	sst s2  }
0xb: {  	[smem:$0x3FB2] =	sst s3  }
0xc: {  	[smem:$0x3FB3] =	sst s4  }
0xd: {  	[smem:$0x3FB4] =	sst s5  }
0xe: {  	[smem:$0x3FB5] =	sst s6  }
0xf: {  	[smem:$0x3FB6] =	sst s7  }
0x10: {  	[smem:$0x3FB7] =	sst s8  }
0x11: {  	[smem:$0x3FB8] =	sst s9;
	s0 =	simm.s32 @!p0 $0x0  }
0x12: {  	s1 =	sld [smem:$0x3F9E];
	s0 =	simm.s32 @p0 $0x1  }
0x13: {  	[smem:$0x3FB9] =	sst s0;
	s0 =	simm.s32 @!p1 $0x0  }
0x14: {  	s2 =	sld [smem:$0x3F9D];
	s0 =	simm.s32 @p1 $0x1  }
0x15: {  	[smem:$0x3FBA] =	sst s0;
	s0 =	simm.s32 @!p2 $0x0  }
0x16: {  	s3 =	sld [smem:$0x3FDB];
	s0 =	simm.s32 @p2 $0x1  }
0x17: {  	s4 =	simm.s32 $0x1BF5;
	[smem:$0x3FBC] =	sst s0  }
0x18: {  	s0 =	sld [smem:$0x3F9F];
	_ =	swait.ge [sflag:s4], $0x0  }
0x19: {  	s7 =	sld [smem:$0x3FA0]  }
0x1a: {  	s8 =	sadd.s32 $0xFFFFE003, lr  }
0x1b: {  	s9 =	sadd.s32 $0xFFFFFEF7, lr;
	s5 =	simm.s32 $0xFFFFFFFF;
	p2 =	slt.u32 s8, $0xFFFFF086  }
0x1c: {  	p1 =	slt.u32 s9, $0xF7A;
	s5 =	simm.s32 @!p2 $0x0  }
0x1d: {  	s5 =	simm.s32 @p1 $0x1;
	p0 =	seq.s32 s7, s2  }
0x1e: {  	s7 =	smul.u32 @!p0 $0xF7A, s2;
	p2 =	seq.s32 @!p0 s5, $0x0  }
0x1f: {  	s9 =	smul.u32 $0xF7A, s1;
	s8 =	simm.s32 @!p0 $0x1BF5;
	p2 =	por !p2, p0  }
0x20: {  	[sflag:s8] =	ssyncset.s32 @!p0 $0xFFFFF086;
	s6 =	sadd.s32 @!p0 s3, s7;
	s7 =	simm.s32 @!p0 $0x108  }
0x21: {  	s3 =	sadd.s32 s3, s9;
	s6 =	sadd.s32 @!p0 $0x88, s6;
	s7 =	simm.s32 @p2 $0x1082  }
0x22: {  	[simem:s7], [sflag:s8] =	dma.local @!p0 [hbm:s6], $0xF7A  }
0x23: {  	s9 =	sor.u32 $0xD0000000, s2;
	s6 =	simm.s32 $0x108;
	_ =	swait.ge @!p0 [sflag:s8], $0x0  }
0x24: {  	s3 =	sadd.s32 $0x88, s3;
	s6 =	simm.s32 @!p1 $0x1082;
	[sflag:s4] =	ssyncset.s32 $0xFFFFF086  }
0x25: {  	[simem:s6], [sflag:s4] =	dma.local [hbm:s3], $0xF7A  }
0x26: {  	[smem:$0x3FA0] =	sst s1;
	(tag) =	ssettag s2;
	_ =	strace s9  }
0x27: {  	s1 =	sld [smem:$0x3FB0]  }
0x28: {  	s2 =	sld [smem:$0x3FB1]  }
0x29: {  	s4 =	sld [smem:$0x3FB3]  }
0x2a: {  	p0 =	seq.s32 s5, $0x0;
	s5 =	sld [smem:$0x3FB4]  }
0x2b: {  	s6 =	sld [smem:$0x3FB5]  }
0x2c: {  	s7 =	sld [smem:$0x3FB6]  }
0x2d: {  	s3 =	simm.s32 $0x108;
	s8 =	sld [smem:$0x3FB7]  }
0x2e: {  	s3 =	simm.s32 @!p0 $0x1082;
	s9 =	sld [smem:$0x3FB8]  }
0x2f: {  	lr =	sadd.s32 s0, s3;
	s0 =	sld [smem:$0x3FAF]  }
0x30: {  	s3 =	sld [smem:$0x3FB2]  }
0x31: {  	[smem:$0x3FBB] =	sst s10  }
0x32: {  	s10 =	sld [smem:$0x3FB9];
	_ =	sdelay $0x3  }
0x33: {  	p0 =	seq.s32 s10, $0x1;
	s10 =	sld [smem:$0x3FBB];
	_ =	sdelay $0x3  }
0x34: {  	[smem:$0x3FBB] =	sst s10  }
0x35: {  	s10 =	sld [smem:$0x3FBA];
	_ =	sdelay $0x3  }
0x36: {  	p1 =	seq.s32 s10, $0x1;
	s10 =	sld [smem:$0x3FBB];
	_ =	sdelay $0x3  }
0x37: {  	[smem:$0x3FBB] =	sst s10  }
0x38: {  	s10 =	sld [smem:$0x3FBC]  }
0x39: {  	_ = 	snop;
	(pc) =	sbr.ind lr, $3  }
0x3a: {  	_ = 	snop  }
0x3b: {  	_ = 	snop  }
0x3c: {  	p2 =	seq.s32 s10, $0x1;
	s10 =	sld [smem:$0x3FBB]  }
0x3d: {  	_ =	shalt  }
0x3e: {  	_ =	shalt  }
0x3f: {  	_ =	shalt  }
0x40: {  	_ =	shalt  }
0x41: {  	_ =	shalt  }
0x42: {  	_ =	shalt  }
0x43: {  	_ =	shalt  }
0x44: {  	_ =	shalt  }
0x45: {  	_ =	shalt  }
0x46: {  	_ =	shalt  }
0x47: {  	_ =	shalt  }
0x48: {  	_ =	shalt  }
0x49: {  	_ =	shalt  }
0x4a: {  	_ =	shalt  }
0x4b: {  	_ =	shalt  }
0x4c: {  	_ =	shalt  }
0x4d: {  	_ =	shalt  }
0x4e: {  	_ =	shalt  }
0x4f: {  	_ =	shalt  }
0x50: {  	_ =	shalt  }
0x51: {  	_ =	shalt  }
0x52: {  	_ =	shalt  }
0x53: {  	_ =	shalt  }
0x54: {  	_ =	shalt  }
0x55: {  	_ =	shalt  }
0x56: {  	_ =	shalt  }
0x57: {  	_ =	shalt  }
0x58: {  	_ =	shalt  }
0x59: {  	_ =	shalt  }
0x5a: {  	_ =	shalt  }
0x5b: {  	_ =	shalt  }
0x5c: {  	_ =	shalt  }
0x5d: {  	_ =	shalt  }
0x5e: {  	_ =	shalt  }
0x5f: {  	_ =	shalt  }
0x60: {  	_ =	shalt  }
0x61: {  	_ =	shalt  }
0x62: {  	_ =	shalt  }
0x63: {  	_ =	shalt  }
0x64: {  	_ =	shalt  }
0x65: {  	_ =	shalt  }
0x66: {  	_ =	shalt  }
0x67: {  	_ =	shalt  }
0x68: {  	_ =	shalt  }
0x69: {  	_ =	shalt  }
0x6a: {  	_ =	shalt  }
0x6b: {  	_ =	shalt  }
0x6c: {  	_ =	shalt  }
0x6d: {  	_ =	shalt  }
0x6e: {  	_ =	shalt  }
0x6f: {  	_ =	shalt  }
0x70: {  	_ =	shalt  }
0x71: {  	_ =	shalt  }
0x72: {  	_ =	shalt  }
0x73: {  	_ =	shalt  }
0x74: {  	_ =	shalt  }
0x75: {  	_ =	shalt  }
0x76: {  	_ =	shalt  }
0x77: {  	_ =	shalt  }
0x78: {  	_ =	shalt  }
0x79: {  	_ =	shalt  }
0x7a: {  	_ =	shalt  }
0x7b: {  	_ =	shalt  }
0x7c: {  	_ =	shalt  }
0x7d: {  	_ =	shalt  }
0x7e: {  	_ =	shalt  }
0x7f: {  	_ =	shalt  }
0x80: {  	_ =	shalt  }
0x81: {  	_ =	shalt  }
0x82: {  	_ =	shalt  }
0x83: {  	_ =	shalt  }
0x84: {  	_ =	shalt  }
0x85: {  	_ =	shalt  }
0x86: {  	_ =	shalt  }
0x87: {  	_ =	shalt  }
.Lfunc_end0:
.L_simem_size_0:
called_computation_lowered:
.L_overlay_start_0:
0x88: {  	s2 =	sld [smem:$0x3FD9]  }
0x89: {  	s3 =	sld [smem:$0x3FFE];
	_ =	sdelay $0x1  }
0x8a: {  	s1 =	srdreg.scid  }
0x8b: {  	s0 =	sand.u32 $0x1, s1  }
0x8c: {  	s18 =	sshll.u32 s0, $0xA;
	s2 =	sadd.s32 s3, s2  }
0x8d: {  	s2 =	sadd.s32 s2, s18  }
0x8e: {  	[smem:$0x3FC7] =	sst s2  }
0x8f: {  	_ = 	snop  }
0x90: {  	s2 =	sld [smem:$0x3FC9]  }
0x91: {  	s19 =	sld [smem:$0x3FD0];
	(tm) =	ssettm $0x1  }
0x92: {  	s4 =	sld [smem:$0x3FFB];
	_ =	sdelay $0x3  }
0x93: {  	_ =	strace s4  }
0x94: {  	s4 =	sld [smem:$0x3FFC];
	_ =	sdelay $0x3  }
0x95: {  	_ =	strace s4  }
0x96: {  	s4 =	sld [smem:$0x3FFD];
	_ =	sdelay $0x3  }
0x97: {  	_ =	strace s4  }
0x98: {  	_ =	strace $0x8FFFFFFF  }
0x99: {  	s20 =	sld [smem:$0x3FDB];
	_ =	sdelay $0x1  }
0x9a: {  	s5 =	simm.s32 $_scs_section_size  }
0x9b: {  	s6 =	simm.s32 $_size__tile_overlayer_lowered;
	s7 =	simm.s32 $_tile_overlayer_lowered  }
0x9c: {  	s23 =	simm.s32 $0x1BFF;
	s22 =	sshll.u32 s7, $0x1;
	s4 =	sadd.s32 s5, s20  }
0x9d: {  	s8 =	simm.s32 $0x0;
	s21 =	sshll.u32 s6, $0x1;
	s6 =	sadd.s32 s22, s4  }
0x9e: {  	[timem:s8], [sflag:s23] =	dma.local [hbm:s6], s21  }
0x9f: {  	_ =	swait.ge [sflag:s23], s21  }
0xa0: {  	s5 =	ssub.s32 $0x0, s21;
	[sflag:s23] =	ssyncset.done $0x0  }
0xa1: {  	[sflag:s23] =	ssyncadd.s32 s5;
	_ =	sdelay $0x1  }
0xa2: {  	s24 =	simm.s32 $0x1B8B  }
0xa3: {  	_ =	swait.ge [sflag:s24], $0x1  }
0xa4: {  	[sflag:s24] =	ssyncset.done $0x0  }
0xa5: {  	s25 =	simm.s32 $0x1B8E;
	[sflag:s24] =	ssyncadd.s32 $0xFFFFFFFF  }
0xa6: {  	s26 =	simm.s32 $execute0_lowered;
	[smem:$0x3FD2] =	sst s25  }
0xa7: {  	s5 =	sshll.u32 s26, $0x1;
	_ =	strace $0x80000046;
	[dreg:$0x1] =	wrdreg $0xFFFFFFFF  }
0xa8: {  	s28 =	simm.s32 $_size_execute0_lowered;
	s4 =	sadd.s32 s4, s5;
	[dreg:$0x0] =	wrdreg $0x0  }
0xa9: {  	s5 =	sshll.u32 s28, $0x1;
	[dreg:$0x2] =	wrdreg s4  }
0xaa: {  	[dreg:$0x3] =	wrdreg s5  }
0xab: {  	[dreg:$0x4] =	wrdreg $0xC0  }
0xac: {  	_ =	task [dreg:s8], $0x5FFFF  }
0xad: {  	[dreg:$0x1] =	wrdreg $0xFFFFFFFF  }
0xae: {  	[dreg:$0x0] =	wrdreg $0x60  }
0xaf: {  	[dreg:$0x2] =	wrdreg s2  }
0xb0: {  	[dreg:$0x3] =	wrdreg s19  }
0xb1: {  	[dreg:$0x4] =	wrdreg $0x9  }
0xb2: {  	_ =	task.clear_ibuf [dreg:s8], $0x5FFFF;
	_ =	strace $0x90000046  }
0xb3: {  	s29 =	simm.s32 $0x9;
	_ =	strace $0x80000048  }
0xb4: {  	_ =	swait.ge [sflag:s29], $0x1  }
0xb5: {  	[sflag:s29] =	ssyncadd.s32 $0xFFFFFFFF  }
0xb6: {  	_ =	strace $0x90000048  }
0xb7: {  	_ =	sfence  }
0xb8: {  	s30 =	sld [smem:$0x0];
	_ =	sdelay $0x2  }
0xb9: {  	s31 =	sshll.u32 s1, $0xD;
	s1 =	sshrl.u32 s1, $0x2  }
0xba: {  	s3 =	sand.u32 $0x4000, s31;
	s1 =	sadd.s32 s1, s30  }
0xbb: {  	s0 =	sor.u32 s3, s0;
	s1 =	sshll.u32 s1, $0x11  }
0xbc: {  	s0 =	sor.u32 s1, s0  }
0xbd: {  	s0 =	sadd.s32 $0x8F2B, s0  }
0xbe: {  	[sflag:s0] =	ssyncadd.remote.s32 $0x1  }
0xbf: {  	_ =	sfence.sel $0xFFFF  }
0xc0: {  	[dreg:$0x0] =	wrdreg $0xFFFFFFFF;
	(pc) =	sbr.abs _section_cstart, $3  }
0xc1: {  	[dreg:$0x1] =	wrdreg $0xFFFFFFFF  }
0xc2: {  	_ =	task.clear_ibuf [dreg:s8], $0x2FFFF;
	_ =	strace $0x9FFFFFFF  }
0xc3: {  	(tm) =	ssettm $0x7FFFFFFF  }
tec
execute0_lowered:
.L_overlay_start_1:
0x0: {  	(tag) =	ssettag $0x1  }
0x1: {  	s0 =	srdreg.scid;
	s2 =	stileid.u32  }
0x2: {  	s1 =	sand.u32 $0x1, s0;
	s8 =	sshll.u32 s2, $0x1  }
0x3: {  	s3 =	sor.u32 s1, s8  }
0x4: {  	s0 =	simm.s32 $0x1F;
	p0 =	seq.s32 s3, $0x0  }
0x5: {  	s2 =	simm.s32 $0x7;
	s0 =	simm.s32 @!p0 $0x0;
	p0 =	seq.s32 s3, $0x1  }
0x6: {  	s4 =	simm.s32 $0x4;
	s2 =	simm.s32 @!p0 $0x0;
	p0 =	seq.s32 s3, $0x2  }
0x7: {  	s0 =	sadd.s32 s2, s0;
	s4 =	simm.s32 @!p0 $0x0  }
0x8: {  	p0 =	seq.s32 s3, $0x3;
	s2 =	simm.s32 $0x1D;
	s0 =	sadd.s32 s4, s0  }
0x9: {  	s2 =	simm.s32 @!p0 $0x0;
	p0 =	seq.s32 s3, $0x4;
	s4 =	simm.s32 $0x10  }
0xa: {  	s0 =	sadd.s32 s2, s0;
	s4 =	simm.s32 @!p0 $0x0  }
0xb: {  	p0 =	seq.s32 s3, $0x5;
	s2 =	simm.s32 $0x13;
	s0 =	sadd.s32 s4, s0  }
0xc: {  	s2 =	simm.s32 @!p0 $0x0;
	p0 =	seq.s32 s3, $0x6;
	s4 =	simm.s32 $0x2  }
0xd: {  	s0 =	sadd.s32 s2, s0;
	s4 =	simm.s32 @!p0 $0x0  }
0xe: {  	p0 =	seq.s32 s3, $0x7;
	s2 =	simm.s32 $0x5;
	s0 =	sadd.s32 s4, s0  }
0xf: {  	s2 =	simm.s32 @!p0 $0x0;
	p0 =	seq.s32 s3, $0x8;
	s4 =	simm.s32 $0x1E  }
0x10: {  	s0 =	sadd.s32 s2, s0;
	s4 =	simm.s32 @!p0 $0x0  }
0x11: {  	p0 =	seq.s32 s3, $0x9;
	s2 =	simm.s32 $0x3;
	s0 =	sadd.s32 s4, s0  }
0x12: {  	s2 =	simm.s32 @!p0 $0x0;
	p0 =	seq.s32 s3, $0xA;
	s4 =	simm.s32 $0x16  }
0x13: {  	s0 =	sadd.s32 s2, s0;
	s4 =	simm.s32 @!p0 $0x0  }
0x14: {  	p0 =	seq.s32 s3, $0xB;
	s2 =	simm.s32 $0x6;
	s0 =	sadd.s32 s4, s0  }
0x15: {  	s2 =	simm.s32 @!p0 $0x0;
	p0 =	seq.s32 s3, $0xC;
	s4 =	simm.s32 $0x12  }
0x16: {  	s0 =	sadd.s32 s2, s0;
	s4 =	simm.s32 @!p0 $0x0  }
0x17: {  	p0 =	seq.s32 s3, $0xD;
	s2 =	simm.s32 $0xA;
	s0 =	sadd.s32 s4, s0  }
0x18: {  	s2 =	simm.s32 @!p0 $0x0;
	p0 =	seq.s32 s3, $0xE;
	s4 =	simm.s32 $0xB  }
0x19: {  	s0 =	sadd.s32 s2, s0;
	s4 =	simm.s32 @!p0 $0x0  }
0x1a: {  	p0 =	seq.s32 s3, $0xF;
	s2 =	simm.s32 $0xF;
	s0 =	sadd.s32 s4, s0  }
0x1b: {  	s2 =	simm.s32 @!p0 $0x0;
	p0 =	seq.s32 s3, $0x10;
	s4 =	simm.s32 $0x14  }
0x1c: {  	s0 =	sadd.s32 s2, s0;
	s4 =	simm.s32 @!p0 $0x0  }
0x1d: {  	p0 =	seq.s32 s3, $0x11;
	s2 =	simm.s32 $0x8;
	s0 =	sadd.s32 s4, s0  }
0x1e: {  	s2 =	simm.s32 @!p0 $0x0;
	p0 =	seq.s32 s3, $0x12;
	s4 =	simm.s32 $0x18  }
0x1f: {  	s0 =	sadd.s32 s2, s0;
	s4 =	simm.s32 @!p0 $0x0  }
0x20: {  	p0 =	seq.s32 s3, $0x13;
	s2 =	simm.s32 $0x9;
	s0 =	sadd.s32 s4, s0  }
0x21: {  	s2 =	simm.s32 @!p0 $0x0;
	p0 =	seq.s32 s3, $0x14;
	s4 =	simm.s32 $0x19  }
0x22: {  	s0 =	sadd.s32 s2, s0;
	s4 =	simm.s32 @!p0 $0x0  }
0x23: {  	p0 =	seq.s32 s3, $0x15;
	s2 =	simm.s32 $0xD;
	s0 =	sadd.s32 s4, s0  }
0x24: {  	s2 =	simm.s32 @!p0 $0x0;
	p0 =	seq.s32 s3, $0x16;
	s4 =	simm.s32 $0xE  }
0x25: {  	s5 =	rddreg [dreg:$0x0];
	s0 =	sadd.s32 s2, s0;
	s4 =	simm.s32 @!p0 $0x0  }
0x26: {  	p0 =	seq.s32 s3, $0x17;
	s2 =	simm.s32 $0x11;
	s0 =	sadd.s32 s4, s0  }
0x27: {  	s2 =	simm.s32 @!p0 $0x0;
	p0 =	seq.s32 s3, $0x18;
	s4 =	simm.s32 $0x17  }
0x28: {  	s6 =	rddreg [dreg:$0x1];
	s0 =	sadd.s32 s2, s0;
	s4 =	simm.s32 @!p0 $0x0  }
0x29: {  	p0 =	seq.s32 s3, $0x1A;
	s2 =	simm.s32 $0x15;
	s0 =	sadd.s32 s4, s0  }
0x2a: {  	s2 =	simm.s32 @!p0 $0x0;
	p0 =	seq.s32 s3, $0x1B;
	s4 =	simm.s32 $0x1A  }
0x2b: {  	s1 =	ssub.s32 $0x2, s1;
	s0 =	sadd.s32 s2, s0;
	s4 =	simm.s32 @!p0 $0x0  }
0x2c: {  	p0 =	seq.s32 s3, $0x1C;
	s2 =	simm.s32 $0x1;
	s0 =	sadd.s32 s4, s0  }
0x2d: {  	s2 =	simm.s32 @!p0 $0x0;
	p0 =	seq.s32 s3, $0x1D;
	s4 =	simm.s32 $0x1C  }
0x2e: {  	s7 =	smul.u32 $0x1C00, s3;
	s0 =	sadd.s32 s2, s0;
	s4 =	simm.s32 @!p0 $0x0  }
0x2f: {  	p0 =	seq.s32 s3, $0x1E;
	s2 =	simm.s32 $0x1B;
	s0 =	sadd.s32 s4, s0  }
0x30: {  	s2 =	simm.s32 @!p0 $0x0;
	p0 =	seq.s32 s3, $0x1F;
	s3 =	smul.u32 $0xE000, s3  }
0x31: {  	s10 =	sadd.s32 s6, s7;
	s4 =	simm.s32 $0xC;
	s0 =	sadd.s32 s2, s0  }
0x32: {  	s4 =	simm.s32 @!p0 $0x0;
	s2 =	simm.s32 $0x0;
	s3 =	sshrl.u32 s3, $0x3  }
0x33: {  	p0 =	por $0x0, $0x0;
	[smem:$0x7FF] =	sst s2;
	s3 =	sadd.s32 s6, s3  }
0x34: {  	_ =	strace $0x80000047;
	[dreg:$0x5] =	wrdreg s10;
	s12 =	sadd.s32 $0x38000, s3  }
0x35: {  	s0 =	sadd.s32 s4, s0;
	s14 =	sadd.s32 $0x70000, s3;
	[dreg:$0x7] =	wrdreg s12  }
0x36: {  	s4 =	smul.u32 $0xE000, s0;
	s16 =	sadd.s32 $0xA8000, s3;
	[dreg:$0x9] =	wrdreg s14  }
0x37: {  	s0 =	smul.u32 $0x1C00, s0;
	s18 =	sadd.s32 $0xE0000, s3;
	[dreg:$0xb] =	wrdreg s16  }
0x38: {  	s10 =	sshrl.u32 s1, $0x1;
	s20 =	sadd.s32 $0x118000, s3;
	[dreg:$0xd] =	wrdreg s18  }
0x39: {  	s22 =	sadd.s32 $0x150000, s3;
	s24 =	sadd.s32 $0x188000, s3;
	[dreg:$0xf] =	wrdreg s20  }
0x3a: {  	s26 =	sadd.s32 $0x1C0000, s3;
	s6 =	sadd.s32 $0x1F8000, s3;
	[dreg:$0x11] =	wrdreg s22  }
0x3b: {  	s8 =	sadd.s32 $0x230000, s3;
	s1 =	ssub.s32 s1, s10;
	[dreg:$0x13] =	wrdreg s24  }
0x3c: {  	s30 =	sadd.s32 $0x2A0000, s3;
	s28 =	sadd.s32 $0x2D8000, s3;
	[dreg:$0x15] =	wrdreg s26  }
0x3d: {  	s10 =	simm.s32 $0xE000;
	s4 =	sshrl.u32 s4, $0x3;
	[dreg:$0x17] =	wrdreg s6  }
0x3e: {  	s0 =	sadd.s32 s5, s0;
	[dreg:$0x19] =	wrdreg s8;
	s12 =	smax.u32 s1, $0x1  }
0x3f: {  	s8 =	simm.s32 $0x2;
	s4 =	sadd.s32 s5, s4;
	[dreg:$0x3] =	wrdreg s0  }
0x40: {  	s6 =	simm.s32 $0x3;
	s9 =	sadd.s32 $0x38000, s4;
	s0 =	rddreg [dreg:$0x3]  }
0x41: {  	p1 =	sne.s32 s12, $0x1;
	s11 =	sadd.s32 $0x70000, s4;
	[dreg:$0x4] =	wrdreg s9  }
0x42: {  	s1 =	sadd.s32 $0xFFFFFFFF, s12;
	s13 =	sadd.s32 $0xA8000, s4;
	[dreg:$0x6] =	wrdreg s11  }
0x43: {  	s12 =	simm.s32 $0x1;
	s15 =	sadd.s32 $0xE0000, s4;
	[dreg:$0x8] =	wrdreg s13  }
0x44: {  	s17 =	sadd.s32 $0x118000, s4;
	s19 =	sadd.s32 $0x150000, s4;
	[dreg:$0xa] =	wrdreg s15  }
0x45: {  	s21 =	sadd.s32 $0x188000, s4;
	s23 =	sadd.s32 $0x1C0000, s4;
	[dreg:$0xc] =	wrdreg s17  }
0x46: {  	s25 =	sadd.s32 $0x1F8000, s4;
	s5 =	sadd.s32 $0x230000, s4;
	[dreg:$0xe] =	wrdreg s19  }
0x47: {  	s7 =	sadd.s32 $0x268000, s4;
	s31 =	sadd.s32 $0x2D8000, s4;
	[dreg:$0x10] =	wrdreg s21  }
0x48: {  	s29 =	sadd.s32 $0x310000, s4;
	s26 =	sadd.s32 $0x348000, s4;
	[dreg:$0x12] =	wrdreg s23  }
0x49: {  	s24 =	sadd.s32 $0x380000, s4;
	s22 =	sadd.s32 $0x3B8000, s4;
	[dreg:$0x14] =	wrdreg s25  }
0x4a: {  	s20 =	sadd.s32 $0x3F0000, s4;
	s18 =	sadd.s32 $0x428000, s4;
	[dreg:$0x16] =	wrdreg s5  }
0x4b: {  	s16 =	sadd.s32 $0x460000, s4;
	s14 =	sadd.s32 $0x498000, s4;
	[dreg:$0x18] =	wrdreg s7  }
0x4c: {  	s9 =	sadd.s32 $0x2A0000, s4;
	s11 =	sadd.s32 $0x268000, s3;
	s25 =	sadd.s32 $0x310000, s3  }
.Ltmp0:
0x4d: {  	s23 =	sadd.s32 $0x348000, s3;
	s21 =	sadd.s32 $0x380000, s3;
	(pc) =	sbr.rel @!p1 .LBB2_3-.Ltmp0, $4  }
0x4e: {  	s19 =	sadd.s32 $0x3B8000, s3;
	s17 =	sadd.s32 $0x3F0000, s3;
	s15 =	sadd.s32 $0x428000, s3  }
0x4f: {  	s13 =	sadd.s32 $0x460000, s3;
	s7 =	sadd.s32 $0x508000, s4;
	[dreg:$0x1a] =	wrdreg s9  }
0x50: {  	s5 =	sadd.s32 $0x4D0000, s3;
	[dreg:$0x1b] =	wrdreg s11;
	s11 =	sadd.s32 $0x4D0000, s4  }
0x51: {  	s9 =	sadd.s32 $0x498000, s3;
	s4 =	sadd.s32 $0x508000, s3;
	s3 =	simm.s32 $0x4  }
0x52: {  	[dreg:$0x1c] =	wrdreg s1  }
0x53: {  	[tilespmem:s2], [sflag:$0x1] =	stream.linear.gather [hbm4b:s0+s2], $0xE000, $0x38;
	[tilespmem:$0x1C000] =	vst v63  }
0x54: {  	s1 =	rddreg [dreg:$0x4]  }
0x55: {  	[tilespmem:s10], [sflag:$0x2] =	stream.linear.gather [hbm4b:s1+s2], $0xE000, $0x38;
	[tilespmem:$0x1C000] =	vst v63  }
0x56: {  	_ =	swait.ge [sflag:s12], $0xE000  }
0x57: {  	[sflag:s12] =	ssyncset.done $0x0  }
0x58: {  	s1 =	rddreg [dreg:$0x5];
	[sflag:s12] =	ssyncadd.s32 $0xFFFF2000  }
0x59: {  	[hbm4b:s1+s2] =	stream.linear.scatter [tilespmem:s2], [sflag:$0x3], $0xE000, $0x38;
	[tilespmem:$0x1C000] =	vst v63  }
0x5a: {  	_ =	swait.ge [sflag:s6], $0xE000  }
0x5b: {  	[sflag:s6] =	ssyncset.done $0x0  }
0x5c: {  	s1 =	rddreg [dreg:$0x6];
	[sflag:s6] =	ssyncadd.s32 $0xFFFF2000  }
0x5d: {  	[tilespmem:s2], [sflag:$0x1] =	stream.linear.gather [hbm4b:s1+s2], $0xE000, $0x38;
	[tilespmem:$0x1C000] =	vst v63  }
0x5e: {  	_ =	swait.ge [sflag:s8], $0xE000  }
0x5f: {  	[sflag:s8] =	ssyncset.done $0x0  }
0x60: {  	s1 =	rddreg [dreg:$0x7];
	[sflag:s8] =	ssyncadd.s32 $0xFFFF2000  }
0x61: {  	[hbm4b:s1+s2] =	stream.linear.scatter [tilespmem:s10], [sflag:$0x4], $0xE000, $0x38;
	[tilespmem:$0x1C000] =	vst v63  }
0x62: {  	_ =	swait.ge [sflag:s3], $0xE000  }
0x63: {  	[sflag:s3] =	ssyncset.done $0x0  }
0x64: {  	s1 =	rddreg [dreg:$0x8];
	[sflag:s3] =	ssyncadd.s32 $0xFFFF2000  }
0x65: {  	[tilespmem:s10], [sflag:$0x2] =	stream.linear.gather [hbm4b:s1+s2], $0xE000, $0x38;
	[tilespmem:$0x1C000] =	vst v63  }
0x66: {  	_ =	swait.ge [sflag:s12], $0xE000  }
0x67: {  	[sflag:s12] =	ssyncset.done $0x0  }
0x68: {  	s1 =	rddreg [dreg:$0x9];
	[sflag:s12] =	ssyncadd.s32 $0xFFFF2000  }
0x69: {  	[hbm4b:s1+s2] =	stream.linear.scatter [tilespmem:s2], [sflag:$0x3], $0xE000, $0x38;
	[tilespmem:$0x1C000] =	vst v63  }
0x6a: {  	_ =	swait.ge [sflag:s6], $0xE000  }
0x6b: {  	[sflag:s6] =	ssyncset.done $0x0  }
0x6c: {  	s1 =	rddreg [dreg:$0xa];
	[sflag:s6] =	ssyncadd.s32 $0xFFFF2000  }
0x6d: {  	[tilespmem:s2], [sflag:$0x1] =	stream.linear.gather [hbm4b:s1+s2], $0xE000, $0x38;
	[tilespmem:$0x1C000] =	vst v63  }
0x6e: {  	_ =	swait.ge [sflag:s8], $0xE000  }
0x6f: {  	[sflag:s8] =	ssyncset.done $0x0  }
0x70: {  	s1 =	rddreg [dreg:$0xb];
	[sflag:s8] =	ssyncadd.s32 $0xFFFF2000  }
0x71: {  	[hbm4b:s1+s2] =	stream.linear.scatter [tilespmem:s10], [sflag:$0x4], $0xE000, $0x38;
	[tilespmem:$0x1C000] =	vst v63  }
0x72: {  	_ =	swait.ge [sflag:s3], $0xE000  }
0x73: {  	[sflag:s3] =	ssyncset.done $0x0  }
0x74: {  	s1 =	rddreg [dreg:$0xc];
	[sflag:s3] =	ssyncadd.s32 $0xFFFF2000  }
0x75: {  	[tilespmem:s10], [sflag:$0x2] =	stream.linear.gather [hbm4b:s1+s2], $0xE000, $0x38;
	[tilespmem:$0x1C000] =	vst v63  }
0x76: {  	_ =	swait.ge [sflag:s12], $0xE000  }
0x77: {  	[sflag:s12] =	ssyncset.done $0x0  }
0x78: {  	s1 =	rddreg [dreg:$0xd];
	[sflag:s12] =	ssyncadd.s32 $0xFFFF2000  }
0x79: {  	[hbm4b:s1+s2] =	stream.linear.scatter [tilespmem:s2], [sflag:$0x3], $0xE000, $0x38;
	[tilespmem:$0x1C000] =	vst v63  }
0x7a: {  	_ =	swait.ge [sflag:s6], $0xE000  }
0x7b: {  	[sflag:s6] =	ssyncset.done $0x0  }
0x7c: {  	s1 =	rddreg [dreg:$0xe];
	[sflag:s6] =	ssyncadd.s32 $0xFFFF2000  }
0x7d: {  	[tilespmem:s2], [sflag:$0x1] =	stream.linear.gather [hbm4b:s1+s2], $0xE000, $0x38;
	[tilespmem:$0x1C000] =	vst v63  }
0x7e: {  	_ =	swait.ge [sflag:s8], $0xE000  }
0x7f: {  	[sflag:s8] =	ssyncset.done $0x0  }
0x80: {  	s1 =	rddreg [dreg:$0xf];
	[sflag:s8] =	ssyncadd.s32 $0xFFFF2000  }
0x81: {  	[hbm4b:s1+s2] =	stream.linear.scatter [tilespmem:s10], [sflag:$0x4], $0xE000, $0x38;
	[tilespmem:$0x1C000] =	vst v63  }
0x82: {  	_ =	swait.ge [sflag:s3], $0xE000  }
0x83: {  	[sflag:s3] =	ssyncset.done $0x0  }
0x84: {  	s1 =	rddreg [dreg:$0x10];
	[sflag:s3] =	ssyncadd.s32 $0xFFFF2000  }
0x85: {  	[tilespmem:s10], [sflag:$0x2] =	stream.linear.gather [hbm4b:s1+s2], $0xE000, $0x38;
	[tilespmem:$0x1C000] =	vst v63  }
0x86: {  	_ =	swait.ge [sflag:s12], $0xE000  }
0x87: {  	[sflag:s12] =	ssyncset.done $0x0  }
0x88: {  	s1 =	rddreg [dreg:$0x11];
	[sflag:s12] =	ssyncadd.s32 $0xFFFF2000  }
0x89: {  	[hbm4b:s1+s2] =	stream.linear.scatter [tilespmem:s2], [sflag:$0x3], $0xE000, $0x38;
	[tilespmem:$0x1C000] =	vst v63  }
0x8a: {  	_ =	swait.ge [sflag:s6], $0xE000  }
0x8b: {  	[sflag:s6] =	ssyncset.done $0x0  }
0x8c: {  	s1 =	rddreg [dreg:$0x12];
	[sflag:s6] =	ssyncadd.s32 $0xFFFF2000  }
0x8d: {  	[tilespmem:s2], [sflag:$0x1] =	stream.linear.gather [hbm4b:s1+s2], $0xE000, $0x38;
	[tilespmem:$0x1C000] =	vst v63  }
0x8e: {  	_ =	swait.ge [sflag:s8], $0xE000  }
0x8f: {  	[sflag:s8] =	ssyncset.done $0x0  }
0x90: {  	s1 =	rddreg [dreg:$0x13];
	[sflag:s8] =	ssyncadd.s32 $0xFFFF2000  }
0x91: {  	[hbm4b:s1+s2] =	stream.linear.scatter [tilespmem:s10], [sflag:$0x4], $0xE000, $0x38;
	[tilespmem:$0x1C000] =	vst v63  }
0x92: {  	_ =	swait.ge [sflag:s3], $0xE000  }
0x93: {  	[sflag:s3] =	ssyncset.done $0x0  }
0x94: {  	s1 =	rddreg [dreg:$0x14];
	[sflag:s3] =	ssyncadd.s32 $0xFFFF2000  }
0x95: {  	[tilespmem:s10], [sflag:$0x2] =	stream.linear.gather [hbm4b:s1+s2], $0xE000, $0x38;
	[tilespmem:$0x1C000] =	vst v63  }
0x96: {  	_ =	swait.ge [sflag:s12], $0xE000  }
0x97: {  	[sflag:s12] =	ssyncset.done $0x0  }
0x98: {  	s1 =	rddreg [dreg:$0x15];
	[sflag:s12] =	ssyncadd.s32 $0xFFFF2000  }
0x99: {  	[hbm4b:s1+s2] =	stream.linear.scatter [tilespmem:s2], [sflag:$0x3], $0xE000, $0x38;
	[tilespmem:$0x1C000] =	vst v63  }
0x9a: {  	_ =	swait.ge [sflag:s6], $0xE000  }
0x9b: {  	[sflag:s6] =	ssyncset.done $0x0  }
0x9c: {  	s1 =	rddreg [dreg:$0x16];
	[sflag:s6] =	ssyncadd.s32 $0xFFFF2000  }
0x9d: {  	[tilespmem:s2], [sflag:$0x1] =	stream.linear.gather [hbm4b:s1+s2], $0xE000, $0x38;
	[tilespmem:$0x1C000] =	vst v63  }
0x9e: {  	_ =	swait.ge [sflag:s8], $0xE000  }
0x9f: {  	[sflag:s8] =	ssyncset.done $0x0  }
0xa0: {  	s1 =	rddreg [dreg:$0x17];
	[sflag:s8] =	ssyncadd.s32 $0xFFFF2000  }
0xa1: {  	[hbm4b:s1+s2] =	stream.linear.scatter [tilespmem:s10], [sflag:$0x4], $0xE000, $0x38;
	[tilespmem:$0x1C000] =	vst v63  }
0xa2: {  	_ =	swait.ge [sflag:s3], $0xE000  }
0xa3: {  	[sflag:s3] =	ssyncset.done $0x0  }
0xa4: {  	s1 =	rddreg [dreg:$0x18];
	[sflag:s3] =	ssyncadd.s32 $0xFFFF2000  }
0xa5: {  	[tilespmem:s10], [sflag:$0x2] =	stream.linear.gather [hbm4b:s1+s2], $0xE000, $0x38;
	[tilespmem:$0x1C000] =	vst v63  }
0xa6: {  	_ =	swait.ge [sflag:s12], $0xE000  }
0xa7: {  	[sflag:s12] =	ssyncset.done $0x0  }
0xa8: {  	s1 =	rddreg [dreg:$0x19];
	[sflag:s12] =	ssyncadd.s32 $0xFFFF2000  }
0xa9: {  	[hbm4b:s1+s2] =	stream.linear.scatter [tilespmem:s2], [sflag:$0x3], $0xE000, $0x38;
	[tilespmem:$0x1C000] =	vst v63  }
0xaa: {  	_ =	swait.ge [sflag:s6], $0xE000  }
0xab: {  	[sflag:s6] =	ssyncset.done $0x0  }
0xac: {  	s1 =	rddreg [dreg:$0x1a];
	[sflag:s6] =	ssyncadd.s32 $0xFFFF2000  }
0xad: {  	[tilespmem:s2], [sflag:$0x1] =	stream.linear.gather [hbm4b:s1+s2], $0xE000, $0x38;
	[tilespmem:$0x1C000] =	vst v63  }
0xae: {  	_ =	swait.ge [sflag:s8], $0xE000  }
0xaf: {  	[sflag:s8] =	ssyncset.done $0x0  }
0xb0: {  	s1 =	rddreg [dreg:$0x1b];
	[sflag:s8] =	ssyncadd.s32 $0xFFFF2000  }
0xb1: {  	[hbm4b:s1+s2] =	stream.linear.scatter [tilespmem:s10], [sflag:$0x4], $0xE000, $0x38;
	[tilespmem:$0x1C000] =	vst v63  }
0xb2: {  	_ =	swait.ge [sflag:s3], $0xE000  }
0xb3: {  	[sflag:s3] =	ssyncset.done $0x0  }
0xb4: {  	[sflag:s3] =	ssyncadd.s32 $0xFFFF2000  }
0xb5: {  	[tilespmem:s10], [sflag:$0x2] =	stream.linear.gather [hbm4b:s31+s2], $0xE000, $0x38;
	[tilespmem:$0x1C000] =	vst v63  }
0xb6: {  	_ =	swait.ge [sflag:s12], $0xE000  }
0xb7: {  	[sflag:s12] =	ssyncset.done $0x0  }
0xb8: {  	[sflag:s12] =	ssyncadd.s32 $0xFFFF2000  }
0xb9: {  	[hbm4b:s30+s2] =	stream.linear.scatter [tilespmem:s2], [sflag:$0x3], $0xE000, $0x38;
	[tilespmem:$0x1C000] =	vst v63  }
0xba: {  	_ =	swait.ge [sflag:s6], $0xE000  }
0xbb: {  	[sflag:s6] =	ssyncset.done $0x0  }
0xbc: {  	[sflag:s6] =	ssyncadd.s32 $0xFFFF2000  }
0xbd: {  	[tilespmem:s2], [sflag:$0x1] =	stream.linear.gather [hbm4b:s29+s2], $0xE000, $0x38;
	[tilespmem:$0x1C000] =	vst v63  }
0xbe: {  	_ =	swait.ge [sflag:s8], $0xE000  }
0xbf: {  	[sflag:s8] =	ssyncset.done $0x0  }
0xc0: {  	[sflag:s8] =	ssyncadd.s32 $0xFFFF2000  }
0xc1: {  	[hbm4b:s28+s2] =	stream.linear.scatter [tilespmem:s10], [sflag:$0x4], $0xE000, $0x38;
	[tilespmem:$0x1C000] =	vst v63  }
0xc2: {  	_ =	swait.ge [sflag:s3], $0xE000  }
0xc3: {  	[sflag:s3] =	ssyncset.done $0x0  }
0xc4: {  	[sflag:s3] =	ssyncadd.s32 $0xFFFF2000  }
0xc5: {  	[tilespmem:s10], [sflag:$0x2] =	stream.linear.gather [hbm4b:s26+s2], $0xE000, $0x38;
	[tilespmem:$0x1C000] =	vst v63  }
0xc6: {  	_ =	swait.ge [sflag:s12], $0xE000  }
0xc7: {  	[sflag:s12] =	ssyncset.done $0x0  }
0xc8: {  	[sflag:s12] =	ssyncadd.s32 $0xFFFF2000  }
0xc9: {  	[hbm4b:s25+s2] =	stream.linear.scatter [tilespmem:s2], [sflag:$0x3], $0xE000, $0x38;
	[tilespmem:$0x1C000] =	vst v63  }
0xca: {  	_ =	swait.ge [sflag:s6], $0xE000  }
0xcb: {  	[sflag:s6] =	ssyncset.done $0x0  }
0xcc: {  	[sflag:s6] =	ssyncadd.s32 $0xFFFF2000  }
0xcd: {  	[tilespmem:s2], [sflag:$0x1] =	stream.linear.gather [hbm4b:s24+s2], $0xE000, $0x38;
	[tilespmem:$0x1C000] =	vst v63  }
0xce: {  	_ =	swait.ge [sflag:s8], $0xE000  }
0xcf: {  	[sflag:s8] =	ssyncset.done $0x0  }
0xd0: {  	[sflag:s8] =	ssyncadd.s32 $0xFFFF2000  }
0xd1: {  	[hbm4b:s23+s2] =	stream.linear.scatter [tilespmem:s10], [sflag:$0x4], $0xE000, $0x38;
	[tilespmem:$0x1C000] =	vst v63  }
0xd2: {  	_ =	swait.ge [sflag:s3], $0xE000  }
0xd3: {  	[sflag:s3] =	ssyncset.done $0x0  }
0xd4: {  	[sflag:s3] =	ssyncadd.s32 $0xFFFF2000  }
0xd5: {  	[tilespmem:s10], [sflag:$0x2] =	stream.linear.gather [hbm4b:s22+s2], $0xE000, $0x38;
	[tilespmem:$0x1C000] =	vst v63  }
0xd6: {  	_ =	swait.ge [sflag:s12], $0xE000  }
0xd7: {  	[sflag:s12] =	ssyncset.done $0x0  }
0xd8: {  	[sflag:s12] =	ssyncadd.s32 $0xFFFF2000  }
0xd9: {  	[hbm4b:s21+s2] =	stream.linear.scatter [tilespmem:s2], [sflag:$0x3], $0xE000, $0x38;
	[tilespmem:$0x1C000] =	vst v63  }
0xda: {  	_ =	swait.ge [sflag:s6], $0xE000  }
0xdb: {  	[sflag:s6] =	ssyncset.done $0x0  }
0xdc: {  	[sflag:s6] =	ssyncadd.s32 $0xFFFF2000  }
0xdd: {  	[tilespmem:s2], [sflag:$0x1] =	stream.linear.gather [hbm4b:s20+s2], $0xE000, $0x38;
	[tilespmem:$0x1C000] =	vst v63  }
0xde: {  	_ =	swait.ge [sflag:s8], $0xE000  }
0xdf: {  	[sflag:s8] =	ssyncset.done $0x0  }
0xe0: {  	[sflag:s8] =	ssyncadd.s32 $0xFFFF2000  }
0xe1: {  	[hbm4b:s19+s2] =	stream.linear.scatter [tilespmem:s10], [sflag:$0x4], $0xE000, $0x38;
	[tilespmem:$0x1C000] =	vst v63  }
0xe2: {  	_ =	swait.ge [sflag:s3], $0xE000  }
0xe3: {  	[sflag:s3] =	ssyncset.done $0x0  }
0xe4: {  	[sflag:s3] =	ssyncadd.s32 $0xFFFF2000  }
0xe5: {  	[tilespmem:s10], [sflag:$0x2] =	stream.linear.gather [hbm4b:s18+s2], $0xE000, $0x38;
	[tilespmem:$0x1C000] =	vst v63  }
0xe6: {  	_ =	swait.ge [sflag:s12], $0xE000  }
0xe7: {  	[sflag:s12] =	ssyncset.done $0x0  }
0xe8: {  	[sflag:s12] =	ssyncadd.s32 $0xFFFF2000  }
0xe9: {  	[hbm4b:s17+s2] =	stream.linear.scatter [tilespmem:s2], [sflag:$0x3], $0xE000, $0x38;
	[tilespmem:$0x1C000] =	vst v63  }
0xea: {  	_ =	swait.ge [sflag:s6], $0xE000  }
0xeb: {  	[sflag:s6] =	ssyncset.done $0x0  }
0xec: {  	[sflag:s6] =	ssyncadd.s32 $0xFFFF2000  }
0xed: {  	[tilespmem:s2], [sflag:$0x1] =	stream.linear.gather [hbm4b:s16+s2], $0xE000, $0x38;
	[tilespmem:$0x1C000] =	vst v63  }
0xee: {  	_ =	swait.ge [sflag:s8], $0xE000  }
0xef: {  	[sflag:s8] =	ssyncset.done $0x0  }
0xf0: {  	[sflag:s8] =	ssyncadd.s32 $0xFFFF2000  }
0xf1: {  	[hbm4b:s15+s2] =	stream.linear.scatter [tilespmem:s10], [sflag:$0x4], $0xE000, $0x38;
	[tilespmem:$0x1C000] =	vst v63  }
0xf2: {  	_ =	swait.ge [sflag:s3], $0xE000  }
0xf3: {  	[sflag:s3] =	ssyncset.done $0x0  }
0xf4: {  	[sflag:s3] =	ssyncadd.s32 $0xFFFF2000  }
0xf5: {  	[tilespmem:s10], [sflag:$0x2] =	stream.linear.gather [hbm4b:s14+s2], $0xE000, $0x38;
	[tilespmem:$0x1C000] =	vst v63  }
0xf6: {  	_ =	swait.ge [sflag:s12], $0xE000  }
0xf7: {  	[sflag:s12] =	ssyncset.done $0x0  }
0xf8: {  	[sflag:s12] =	ssyncadd.s32 $0xFFFF2000  }
0xf9: {  	[hbm4b:s13+s2] =	stream.linear.scatter [tilespmem:s2], [sflag:$0x3], $0xE000, $0x38;
	[tilespmem:$0x1C000] =	vst v63  }
0xfa: {  	_ =	swait.ge [sflag:s6], $0xE000  }
0xfb: {  	[sflag:s6] =	ssyncset.done $0x0  }
0xfc: {  	[sflag:s6] =	ssyncadd.s32 $0xFFFF2000  }
0xfd: {  	[tilespmem:s2], [sflag:$0x1] =	stream.linear.gather [hbm4b:s11+s2], $0xE000, $0x38;
	[tilespmem:$0x1C000] =	vst v63  }
0xfe: {  	_ =	swait.ge [sflag:s8], $0xE000  }
0xff: {  	[sflag:s8] =	ssyncset.done $0x0  }
0x100: {  	[sflag:s8] =	ssyncadd.s32 $0xFFFF2000  }
0x101: {  	[hbm4b:s9+s2] =	stream.linear.scatter [tilespmem:s10], [sflag:$0x4], $0xE000, $0x38;
	[tilespmem:$0x1C000] =	vst v63  }
0x102: {  	_ =	swait.ge [sflag:s3], $0xE000  }
0x103: {  	[sflag:s3] =	ssyncset.done $0x0  }
0x104: {  	[sflag:s3] =	ssyncadd.s32 $0xFFFF2000  }
0x105: {  	[tilespmem:s10], [sflag:$0x2] =	stream.linear.gather [hbm4b:s7+s2], $0xE000, $0x38;
	[tilespmem:$0x1C000] =	vst v63  }
0x106: {  	_ =	swait.ge [sflag:s12], $0xE000  }
0x107: {  	[sflag:s12] =	ssyncset.done $0x0  }
0x108: {  	[sflag:s12] =	ssyncadd.s32 $0xFFFF2000  }
0x109: {  	[hbm4b:s5+s2] =	stream.linear.scatter [tilespmem:s2], [sflag:$0x3], $0xE000, $0x38;
	[tilespmem:$0x1C000] =	vst v63  }
0x10a: {  	_ =	swait.ge [sflag:s8], $0xE000  }
0x10b: {  	[sflag:s8] =	ssyncset.done $0x0  }
0x10c: {  	[sflag:s8] =	ssyncadd.s32 $0xFFFF2000  }
0x10d: {  	[hbm4b:s4+s2] =	stream.linear.scatter [tilespmem:s10], [sflag:$0x4], $0xE000, $0x38;
	[tilespmem:$0x1C000] =	vst v63  }
0x10e: {  	_ =	swait.ge [sflag:s6], $0xE000  }
0x10f: {  	s1 =	rddreg [dreg:$0x1c]  }
0x110: {  	p1 =	sne.s32 s1, $0x1  }
.Ltmp1:
0x111: {  	_ = 	snop;
	(pc) =	sbr.rel @!p1 .LBB2_3-.Ltmp1, $4  }
0x112: {  	[sflag:s6] =	ssyncset.done $0x0  }
0x113: {  	[sflag:s6] =	ssyncadd.s32 $0xFFFF2000  }
0x114: {  	p0 =	por $0x1, $0x1;
	_ =	swait.ge [sflag:s3], $0xE000  }
0x115: {  	s1 =	sadd.s32 $0xFFFFFFFF, s1;
	s0 =	rddreg [dreg:$0x3];
	[sflag:s3] =	ssyncset.done $0x0  }
.LBB2_2:
0x116: {  	[sflag:s3] =	ssyncadd.s32 $0xFFFF2000;
	s3 =	simm.s32 $0xE000  }
0x117: {  	s10 =	smov.u32 s31;
	s31 =	smov.u32 s30;
	s30 =	smov.u32 s29  }
0x118: {  	s29 =	smov.u32 s28;
	s28 =	smov.u32 s26;
	s26 =	smov.u32 s25  }
0x119: {  	s25 =	smov.u32 s24;
	s24 =	smov.u32 s23;
	s23 =	smov.u32 s22  }
0x11a: {  	s22 =	smov.u32 s21;
	s21 =	smov.u32 s20;
	s20 =	smov.u32 s19  }
0x11b: {  	s19 =	smov.u32 s18;
	s18 =	smov.u32 s17;
	s17 =	smov.u32 s16  }
0x11c: {  	s16 =	smov.u32 s15;
	s15 =	smov.u32 s14;
	s14 =	smov.u32 s13  }
0x11d: {  	s13 =	smov.u32 s11;
	s11 =	smov.u32 s9;
	s9 =	smov.u32 s7  }
0x11e: {  	[tilespmem:s2], [sflag:$0x1] =	stream.linear.gather [hbm4b:s0+s2], $0xE000, $0x38;
	[tilespmem:$0x1C000] =	vst v63  }
0x11f: {  	s7 =	smov.u32 s5;
	s5 =	smov.u32 s4;
	s4 =	rddreg [dreg:$0x4]  }
0x120: {  	[tilespmem:s3], [sflag:$0x2] =	stream.linear.gather [hbm4b:s4+s2], $0xE000, $0x38;
	[tilespmem:$0x1C000] =	vst v63  }
0x121: {  	s3 =	simm.s32 $0x4  }
0x122: {  	s4 =	smov.u32 s5;
	s5 =	smov.u32 s7;
	s7 =	smov.u32 s9  }
0x123: {  	s9 =	smov.u32 s11;
	s11 =	smov.u32 s13;
	s13 =	smov.u32 s14  }
0x124: {  	s14 =	smov.u32 s15;
	s15 =	smov.u32 s16;
	s16 =	smov.u32 s17  }
0x125: {  	s17 =	smov.u32 s18;
	s18 =	smov.u32 s19;
	_ =	swait.ge [sflag:s12], $0xE000  }
0x126: {  	s19 =	smov.u32 s20;
	s20 =	smov.u32 s21;
	[sflag:s12] =	ssyncset.done $0x0  }
0x127: {  	s21 =	smov.u32 s22;
	s0 =	rddreg [dreg:$0x5];
	[sflag:s12] =	ssyncadd.s32 $0xFFFF2000  }
0x128: {  	[hbm4b:s0+s2] =	stream.linear.scatter [tilespmem:s2], [sflag:$0x3], $0xE000, $0x38;
	[tilespmem:$0x1C000] =	vst v63  }
0x129: {  	s22 =	smov.u32 s23;
	s23 =	smov.u32 s24;
	_ =	swait.ge [sflag:s6], $0xE000  }
0x12a: {  	s24 =	smov.u32 s25;
	s25 =	smov.u32 s26;
	[sflag:s6] =	ssyncset.done $0x0  }
0x12b: {  	s26 =	smov.u32 s28;
	s0 =	rddreg [dreg:$0x6];
	[sflag:s6] =	ssyncadd.s32 $0xFFFF2000  }
0x12c: {  	[tilespmem:s2], [sflag:$0x1] =	stream.linear.gather [hbm4b:s0+s2], $0xE000, $0x38;
	[tilespmem:$0x1C000] =	vst v63  }
0x12d: {  	s28 =	smov.u32 s29;
	s29 =	smov.u32 s30;
	_ =	swait.ge [sflag:s8], $0xE000  }
0x12e: {  	s30 =	smov.u32 s31;
	s31 =	smov.u32 s10;
	[sflag:s8] =	ssyncset.done $0x0  }
0x12f: {  	s10 =	simm.s32 $0xE000;
	s0 =	rddreg [dreg:$0x7];
	[sflag:s8] =	ssyncadd.s32 $0xFFFF2000  }
0x130: {  	[hbm4b:s0+s2] =	stream.linear.scatter [tilespmem:s10], [sflag:$0x4], $0xE000, $0x38;
	[tilespmem:$0x1C000] =	vst v63  }
0x131: {  	_ =	swait.ge [sflag:s3], $0xE000  }
0x132: {  	[sflag:s3] =	ssyncset.done $0x0  }
0x133: {  	s0 =	rddreg [dreg:$0x8];
	[sflag:s3] =	ssyncadd.s32 $0xFFFF2000  }
0x134: {  	[tilespmem:s10], [sflag:$0x2] =	stream.linear.gather [hbm4b:s0+s2], $0xE000, $0x38;
	[tilespmem:$0x1C000] =	vst v63  }
0x135: {  	_ =	swait.ge [sflag:s12], $0xE000  }
0x136: {  	[sflag:s12] =	ssyncset.done $0x0  }
0x137: {  	s0 =	rddreg [dreg:$0x9];
	[sflag:s12] =	ssyncadd.s32 $0xFFFF2000  }
0x138: {  	[hbm4b:s0+s2] =	stream.linear.scatter [tilespmem:s2], [sflag:$0x3], $0xE000, $0x38;
	[tilespmem:$0x1C000] =	vst v63  }
0x139: {  	_ =	swait.ge [sflag:s6], $0xE000  }
0x13a: {  	[sflag:s6] =	ssyncset.done $0x0  }
0x13b: {  	s0 =	rddreg [dreg:$0xa];
	[sflag:s6] =	ssyncadd.s32 $0xFFFF2000  }
0x13c: {  	[tilespmem:s2], [sflag:$0x1] =	stream.linear.gather [hbm4b:s0+s2], $0xE000, $0x38;
	[tilespmem:$0x1C000] =	vst v63  }
0x13d: {  	_ =	swait.ge [sflag:s8], $0xE000  }
0x13e: {  	[sflag:s8] =	ssyncset.done $0x0  }
0x13f: {  	s0 =	rddreg [dreg:$0xb];
	[sflag:s8] =	ssyncadd.s32 $0xFFFF2000  }
0x140: {  	[hbm4b:s0+s2] =	stream.linear.scatter [tilespmem:s10], [sflag:$0x4], $0xE000, $0x38;
	[tilespmem:$0x1C000] =	vst v63  }
0x141: {  	_ =	swait.ge [sflag:s3], $0xE000  }
0x142: {  	[sflag:s3] =	ssyncset.done $0x0  }
0x143: {  	s0 =	rddreg [dreg:$0xc];
	[sflag:s3] =	ssyncadd.s32 $0xFFFF2000  }
0x144: {  	[tilespmem:s10], [sflag:$0x2] =	stream.linear.gather [hbm4b:s0+s2], $0xE000, $0x38;
	[tilespmem:$0x1C000] =	vst v63  }
0x145: {  	_ =	swait.ge [sflag:s12], $0xE000  }
0x146: {  	[sflag:s12] =	ssyncset.done $0x0  }
0x147: {  	s0 =	rddreg [dreg:$0xd];
	[sflag:s12] =	ssyncadd.s32 $0xFFFF2000  }
0x148: {  	[hbm4b:s0+s2] =	stream.linear.scatter [tilespmem:s2], [sflag:$0x3], $0xE000, $0x38;
	[tilespmem:$0x1C000] =	vst v63  }
0x149: {  	_ =	swait.ge [sflag:s6], $0xE000  }
0x14a: {  	[sflag:s6] =	ssyncset.done $0x0  }
0x14b: {  	s0 =	rddreg [dreg:$0xe];
	[sflag:s6] =	ssyncadd.s32 $0xFFFF2000  }
0x14c: {  	[tilespmem:s2], [sflag:$0x1] =	stream.linear.gather [hbm4b:s0+s2], $0xE000, $0x38;
	[tilespmem:$0x1C000] =	vst v63  }
0x14d: {  	_ =	swait.ge [sflag:s8], $0xE000  }
0x14e: {  	[sflag:s8] =	ssyncset.done $0x0  }
0x14f: {  	s0 =	rddreg [dreg:$0xf];
	[sflag:s8] =	ssyncadd.s32 $0xFFFF2000  }
0x150: {  	[hbm4b:s0+s2] =	stream.linear.scatter [tilespmem:s10], [sflag:$0x4], $0xE000, $0x38;
	[tilespmem:$0x1C000] =	vst v63  }
0x151: {  	_ =	swait.ge [sflag:s3], $0xE000  }
0x152: {  	[sflag:s3] =	ssyncset.done $0x0  }
0x153: {  	s0 =	rddreg [dreg:$0x10];
	[sflag:s3] =	ssyncadd.s32 $0xFFFF2000  }
0x154: {  	[tilespmem:s10], [sflag:$0x2] =	stream.linear.gather [hbm4b:s0+s2], $0xE000, $0x38;
	[tilespmem:$0x1C000] =	vst v63  }
0x155: {  	_ =	swait.ge [sflag:s12], $0xE000  }
0x156: {  	[sflag:s12] =	ssyncset.done $0x0  }
0x157: {  	s0 =	rddreg [dreg:$0x11];
	[sflag:s12] =	ssyncadd.s32 $0xFFFF2000  }
0x158: {  	[hbm4b:s0+s2] =	stream.linear.scatter [tilespmem:s2], [sflag:$0x3], $0xE000, $0x38;
	[tilespmem:$0x1C000] =	vst v63  }
0x159: {  	_ =	swait.ge [sflag:s6], $0xE000  }
0x15a: {  	[sflag:s6] =	ssyncset.done $0x0  }
0x15b: {  	s0 =	rddreg [dreg:$0x12];
	[sflag:s6] =	ssyncadd.s32 $0xFFFF2000  }
0x15c: {  	[tilespmem:s2], [sflag:$0x1] =	stream.linear.gather [hbm4b:s0+s2], $0xE000, $0x38;
	[tilespmem:$0x1C000] =	vst v63  }
0x15d: {  	_ =	swait.ge [sflag:s8], $0xE000  }
0x15e: {  	[sflag:s8] =	ssyncset.done $0x0  }
0x15f: {  	s0 =	rddreg [dreg:$0x13];
	[sflag:s8] =	ssyncadd.s32 $0xFFFF2000  }
0x160: {  	[hbm4b:s0+s2] =	stream.linear.scatter [tilespmem:s10], [sflag:$0x4], $0xE000, $0x38;
	[tilespmem:$0x1C000] =	vst v63  }
0x161: {  	_ =	swait.ge [sflag:s3], $0xE000  }
0x162: {  	[sflag:s3] =	ssyncset.done $0x0  }
0x163: {  	s0 =	rddreg [dreg:$0x14];
	[sflag:s3] =	ssyncadd.s32 $0xFFFF2000  }
0x164: {  	[tilespmem:s10], [sflag:$0x2] =	stream.linear.gather [hbm4b:s0+s2], $0xE000, $0x38;
	[tilespmem:$0x1C000] =	vst v63  }
0x165: {  	_ =	swait.ge [sflag:s12], $0xE000  }
0x166: {  	[sflag:s12] =	ssyncset.done $0x0  }
0x167: {  	s0 =	rddreg [dreg:$0x15];
	[sflag:s12] =	ssyncadd.s32 $0xFFFF2000  }
0x168: {  	[hbm4b:s0+s2] =	stream.linear.scatter [tilespmem:s2], [sflag:$0x3], $0xE000, $0x38;
	[tilespmem:$0x1C000] =	vst v63  }
0x169: {  	_ =	swait.ge [sflag:s6], $0xE000  }
0x16a: {  	[sflag:s6] =	ssyncset.done $0x0  }
0x16b: {  	s0 =	rddreg [dreg:$0x16];
	[sflag:s6] =	ssyncadd.s32 $0xFFFF2000  }
0x16c: {  	[tilespmem:s2], [sflag:$0x1] =	stream.linear.gather [hbm4b:s0+s2], $0xE000, $0x38;
	[tilespmem:$0x1C000] =	vst v63  }
0x16d: {  	_ =	swait.ge [sflag:s8], $0xE000  }
0x16e: {  	[sflag:s8] =	ssyncset.done $0x0  }
0x16f: {  	s0 =	rddreg [dreg:$0x17];
	[sflag:s8] =	ssyncadd.s32 $0xFFFF2000  }
0x170: {  	[hbm4b:s0+s2] =	stream.linear.scatter [tilespmem:s10], [sflag:$0x4], $0xE000, $0x38;
	[tilespmem:$0x1C000] =	vst v63  }
0x171: {  	_ =	swait.ge [sflag:s3], $0xE000  }
0x172: {  	[sflag:s3] =	ssyncset.done $0x0  }
0x173: {  	s0 =	rddreg [dreg:$0x18];
	[sflag:s3] =	ssyncadd.s32 $0xFFFF2000  }
0x174: {  	[tilespmem:s10], [sflag:$0x2] =	stream.linear.gather [hbm4b:s0+s2], $0xE000, $0x38;
	[tilespmem:$0x1C000] =	vst v63  }
0x175: {  	_ =	swait.ge [sflag:s12], $0xE000  }
0x176: {  	[sflag:s12] =	ssyncset.done $0x0  }
0x177: {  	s0 =	rddreg [dreg:$0x19];
	[sflag:s12] =	ssyncadd.s32 $0xFFFF2000  }
0x178: {  	[hbm4b:s0+s2] =	stream.linear.scatter [tilespmem:s2], [sflag:$0x3], $0xE000, $0x38;
	[tilespmem:$0x1C000] =	vst v63  }
0x179: {  	_ =	swait.ge [sflag:s6], $0xE000  }
0x17a: {  	[sflag:s6] =	ssyncset.done $0x0  }
0x17b: {  	s0 =	rddreg [dreg:$0x1a];
	[sflag:s6] =	ssyncadd.s32 $0xFFFF2000  }
0x17c: {  	[tilespmem:s2], [sflag:$0x1] =	stream.linear.gather [hbm4b:s0+s2], $0xE000, $0x38;
	[tilespmem:$0x1C000] =	vst v63  }
0x17d: {  	_ =	swait.ge [sflag:s8], $0xE000  }
0x17e: {  	[sflag:s8] =	ssyncset.done $0x0  }
0x17f: {  	s0 =	rddreg [dreg:$0x1b];
	[sflag:s8] =	ssyncadd.s32 $0xFFFF2000  }
0x180: {  	[hbm4b:s0+s2] =	stream.linear.scatter [tilespmem:s10], [sflag:$0x4], $0xE000, $0x38;
	[tilespmem:$0x1C000] =	vst v63  }
0x181: {  	_ =	swait.ge [sflag:s3], $0xE000  }
0x182: {  	[sflag:s3] =	ssyncset.done $0x0  }
0x183: {  	[sflag:s3] =	ssyncadd.s32 $0xFFFF2000  }
0x184: {  	[tilespmem:s10], [sflag:$0x2] =	stream.linear.gather [hbm4b:s31+s2], $0xE000, $0x38;
	[tilespmem:$0x1C000] =	vst v63  }
0x185: {  	_ =	swait.ge [sflag:s12], $0xE000  }
0x186: {  	[sflag:s12] =	ssyncset.done $0x0  }
0x187: {  	[sflag:s12] =	ssyncadd.s32 $0xFFFF2000  }
0x188: {  	[hbm4b:s30+s2] =	stream.linear.scatter [tilespmem:s2], [sflag:$0x3], $0xE000, $0x38;
	[tilespmem:$0x1C000] =	vst v63  }
0x189: {  	_ =	swait.ge [sflag:s6], $0xE000  }
0x18a: {  	[sflag:s6] =	ssyncset.done $0x0  }
0x18b: {  	[sflag:s6] =	ssyncadd.s32 $0xFFFF2000  }
0x18c: {  	[tilespmem:s2], [sflag:$0x1] =	stream.linear.gather [hbm4b:s29+s2], $0xE000, $0x38;
	[tilespmem:$0x1C000] =	vst v63  }
0x18d: {  	_ =	swait.ge [sflag:s8], $0xE000  }
0x18e: {  	[sflag:s8] =	ssyncset.done $0x0  }
0x18f: {  	[sflag:s8] =	ssyncadd.s32 $0xFFFF2000  }
0x190: {  	[hbm4b:s28+s2] =	stream.linear.scatter [tilespmem:s10], [sflag:$0x4], $0xE000, $0x38;
	[tilespmem:$0x1C000] =	vst v63  }
0x191: {  	_ =	swait.ge [sflag:s3], $0xE000  }
0x192: {  	[sflag:s3] =	ssyncset.done $0x0  }
0x193: {  	[sflag:s3] =	ssyncadd.s32 $0xFFFF2000  }
0x194: {  	[tilespmem:s10], [sflag:$0x2] =	stream.linear.gather [hbm4b:s26+s2], $0xE000, $0x38;
	[tilespmem:$0x1C000] =	vst v63  }
0x195: {  	_ =	swait.ge [sflag:s12], $0xE000  }
0x196: {  	[sflag:s12] =	ssyncset.done $0x0  }
0x197: {  	[sflag:s12] =	ssyncadd.s32 $0xFFFF2000  }
0x198: {  	[hbm4b:s25+s2] =	stream.linear.scatter [tilespmem:s2], [sflag:$0x3], $0xE000, $0x38;
	[tilespmem:$0x1C000] =	vst v63  }
0x199: {  	_ =	swait.ge [sflag:s6], $0xE000  }
0x19a: {  	[sflag:s6] =	ssyncset.done $0x0  }
0x19b: {  	[sflag:s6] =	ssyncadd.s32 $0xFFFF2000  }
0x19c: {  	[tilespmem:s2], [sflag:$0x1] =	stream.linear.gather [hbm4b:s24+s2], $0xE000, $0x38;
	[tilespmem:$0x1C000] =	vst v63  }
0x19d: {  	_ =	swait.ge [sflag:s8], $0xE000  }
0x19e: {  	[sflag:s8] =	ssyncset.done $0x0  }
0x19f: {  	[sflag:s8] =	ssyncadd.s32 $0xFFFF2000  }
0x1a0: {  	[hbm4b:s23+s2] =	stream.linear.scatter [tilespmem:s10], [sflag:$0x4], $0xE000, $0x38;
	[tilespmem:$0x1C000] =	vst v63  }
0x1a1: {  	_ =	swait.ge [sflag:s3], $0xE000  }
0x1a2: {  	[sflag:s3] =	ssyncset.done $0x0  }
0x1a3: {  	[sflag:s3] =	ssyncadd.s32 $0xFFFF2000  }
0x1a4: {  	[tilespmem:s10], [sflag:$0x2] =	stream.linear.gather [hbm4b:s22+s2], $0xE000, $0x38;
	[tilespmem:$0x1C000] =	vst v63  }
0x1a5: {  	_ =	swait.ge [sflag:s12], $0xE000  }
0x1a6: {  	[sflag:s12] =	ssyncset.done $0x0  }
0x1a7: {  	[sflag:s12] =	ssyncadd.s32 $0xFFFF2000  }
0x1a8: {  	[hbm4b:s21+s2] =	stream.linear.scatter [tilespmem:s2], [sflag:$0x3], $0xE000, $0x38;
	[tilespmem:$0x1C000] =	vst v63  }
0x1a9: {  	_ =	swait.ge [sflag:s6], $0xE000  }
0x1aa: {  	[sflag:s6] =	ssyncset.done $0x0  }
0x1ab: {  	[sflag:s6] =	ssyncadd.s32 $0xFFFF2000  }
0x1ac: {  	[tilespmem:s2], [sflag:$0x1] =	stream.linear.gather [hbm4b:s20+s2], $0xE000, $0x38;
	[tilespmem:$0x1C000] =	vst v63  }
0x1ad: {  	_ =	swait.ge [sflag:s8], $0xE000  }
0x1ae: {  	[sflag:s8] =	ssyncset.done $0x0  }
0x1af: {  	[sflag:s8] =	ssyncadd.s32 $0xFFFF2000  }
0x1b0: {  	[hbm4b:s19+s2] =	stream.linear.scatter [tilespmem:s10], [sflag:$0x4], $0xE000, $0x38;
	[tilespmem:$0x1C000] =	vst v63  }
0x1b1: {  	_ =	swait.ge [sflag:s3], $0xE000  }
0x1b2: {  	[sflag:s3] =	ssyncset.done $0x0  }
0x1b3: {  	[sflag:s3] =	ssyncadd.s32 $0xFFFF2000  }
0x1b4: {  	[tilespmem:s10], [sflag:$0x2] =	stream.linear.gather [hbm4b:s18+s2], $0xE000, $0x38;
	[tilespmem:$0x1C000] =	vst v63  }
0x1b5: {  	_ =	swait.ge [sflag:s12], $0xE000  }
0x1b6: {  	[sflag:s12] =	ssyncset.done $0x0  }
0x1b7: {  	[sflag:s12] =	ssyncadd.s32 $0xFFFF2000  }
0x1b8: {  	[hbm4b:s17+s2] =	stream.linear.scatter [tilespmem:s2], [sflag:$0x3], $0xE000, $0x38;
	[tilespmem:$0x1C000] =	vst v63  }
0x1b9: {  	_ =	swait.ge [sflag:s6], $0xE000  }
0x1ba: {  	[sflag:s6] =	ssyncset.done $0x0  }
0x1bb: {  	[sflag:s6] =	ssyncadd.s32 $0xFFFF2000  }
0x1bc: {  	[tilespmem:s2], [sflag:$0x1] =	stream.linear.gather [hbm4b:s16+s2], $0xE000, $0x38;
	[tilespmem:$0x1C000] =	vst v63  }
0x1bd: {  	_ =	swait.ge [sflag:s8], $0xE000  }
0x1be: {  	[sflag:s8] =	ssyncset.done $0x0  }
0x1bf: {  	[sflag:s8] =	ssyncadd.s32 $0xFFFF2000  }
0x1c0: {  	[hbm4b:s15+s2] =	stream.linear.scatter [tilespmem:s10], [sflag:$0x4], $0xE000, $0x38;
	[tilespmem:$0x1C000] =	vst v63  }
0x1c1: {  	_ =	swait.ge [sflag:s3], $0xE000  }
0x1c2: {  	[sflag:s3] =	ssyncset.done $0x0  }
0x1c3: {  	[sflag:s3] =	ssyncadd.s32 $0xFFFF2000  }
0x1c4: {  	[tilespmem:s10], [sflag:$0x2] =	stream.linear.gather [hbm4b:s14+s2], $0xE000, $0x38;
	[tilespmem:$0x1C000] =	vst v63  }
0x1c5: {  	_ =	swait.ge [sflag:s12], $0xE000  }
0x1c6: {  	[sflag:s12] =	ssyncset.done $0x0  }
0x1c7: {  	[sflag:s12] =	ssyncadd.s32 $0xFFFF2000  }
0x1c8: {  	[hbm4b:s13+s2] =	stream.linear.scatter [tilespmem:s2], [sflag:$0x3], $0xE000, $0x38;
	[tilespmem:$0x1C000] =	vst v63  }
0x1c9: {  	_ =	swait.ge [sflag:s6], $0xE000  }
0x1ca: {  	[sflag:s6] =	ssyncset.done $0x0  }
0x1cb: {  	[sflag:s6] =	ssyncadd.s32 $0xFFFF2000  }
0x1cc: {  	[tilespmem:s2], [sflag:$0x1] =	stream.linear.gather [hbm4b:s11+s2], $0xE000, $0x38;
	[tilespmem:$0x1C000] =	vst v63  }
0x1cd: {  	_ =	swait.ge [sflag:s8], $0xE000  }
0x1ce: {  	[sflag:s8] =	ssyncset.done $0x0  }
0x1cf: {  	[sflag:s8] =	ssyncadd.s32 $0xFFFF2000  }
0x1d0: {  	[hbm4b:s9+s2] =	stream.linear.scatter [tilespmem:s10], [sflag:$0x4], $0xE000, $0x38;
	[tilespmem:$0x1C000] =	vst v63  }
0x1d1: {  	_ =	swait.ge [sflag:s3], $0xE000  }
0x1d2: {  	[sflag:s3] =	ssyncset.done $0x0  }
0x1d3: {  	[sflag:s3] =	ssyncadd.s32 $0xFFFF2000  }
0x1d4: {  	[tilespmem:s10], [sflag:$0x2] =	stream.linear.gather [hbm4b:s7+s2], $0xE000, $0x38;
	[tilespmem:$0x1C000] =	vst v63  }
0x1d5: {  	_ =	swait.ge [sflag:s12], $0xE000  }
0x1d6: {  	[sflag:s12] =	ssyncset.done $0x0  }
0x1d7: {  	[sflag:s12] =	ssyncadd.s32 $0xFFFF2000  }
0x1d8: {  	[hbm4b:s5+s2] =	stream.linear.scatter [tilespmem:s2], [sflag:$0x3], $0xE000, $0x38;
	[tilespmem:$0x1C000] =	vst v63  }
0x1d9: {  	_ =	swait.ge [sflag:s8], $0xE000  }
0x1da: {  	[sflag:s8] =	ssyncset.done $0x0  }
0x1db: {  	p1 =	sne.s32 s1, $0x1;
	[sflag:s8] =	ssyncadd.s32 $0xFFFF2000  }
0x1dc: {  	[hbm4b:s4+s2] =	stream.linear.scatter [tilespmem:s10], [sflag:$0x4], $0xE000, $0x38;
	[tilespmem:$0x1C000] =	vst v63  }
.Ltmp2:
0x1dd: {  	_ =	swait.ge [sflag:s6], $0xE000;
	(pc) =	sbr.rel @p1 .LBB2_2-.Ltmp2, $4  }
0x1de: {  	[sflag:s6] =	ssyncset.done $0x0  }
0x1df: {  	[sflag:s6] =	ssyncadd.s32 $0xFFFF2000  }
0x1e0: {  	_ =	swait.ge [sflag:s3], $0xE000  }
0x1e1: {  	s1 =	sadd.s32 $0xFFFFFFFF, s1;
	s0 =	rddreg [dreg:$0x3];
	[sflag:s3] =	ssyncset.done $0x0  }
.LBB2_3:
0x1e2: {  	[sflag:s3] =	ssyncadd.s32 @p0 $0xFFFF2000  }
0x1e3: {  	[tilespmem:s2], [sflag:$0x1] =	stream.linear.gather [hbm4b:s0+s2], $0xE000, $0x38;
	[tilespmem:$0x1C000] =	vst v63  }
0x1e4: {  	s1 =	rddreg [dreg:$0x4]  }
0x1e5: {  	[tilespmem:s10], [sflag:$0x2] =	stream.linear.gather [hbm4b:s1+s2], $0xE000, $0x38;
	[tilespmem:$0x1C000] =	vst v63  }
0x1e6: {  	_ =	swait.ge [sflag:s12], $0xE000  }
0x1e7: {  	[sflag:s12] =	ssyncset.done $0x0  }
0x1e8: {  	s1 =	rddreg [dreg:$0x5];
	[sflag:s12] =	ssyncadd.s32 $0xFFFF2000  }
0x1e9: {  	[hbm4b:s1+s2] =	stream.linear.scatter [tilespmem:s2], [sflag:$0x3], $0xE000, $0x38;
	[tilespmem:$0x1C000] =	vst v63  }
0x1ea: {  	_ =	swait.ge [sflag:s6], $0xE000  }
0x1eb: {  	[sflag:s6] =	ssyncset.done $0x0  }
0x1ec: {  	s1 =	rddreg [dreg:$0x6];
	[sflag:s6] =	ssyncadd.s32 $0xFFFF2000  }
0x1ed: {  	[tilespmem:s2], [sflag:$0x1] =	stream.linear.gather [hbm4b:s1+s2], $0xE000, $0x38;
	[tilespmem:$0x1C000] =	vst v63  }
0x1ee: {  	_ =	swait.ge [sflag:s8], $0xE000  }
0x1ef: {  	[sflag:s8] =	ssyncset.done $0x0  }
0x1f0: {  	s1 =	rddreg [dreg:$0x7];
	[sflag:s8] =	ssyncadd.s32 $0xFFFF2000  }
0x1f1: {  	[hbm4b:s1+s2] =	stream.linear.scatter [tilespmem:s10], [sflag:$0x4], $0xE000, $0x38;
	[tilespmem:$0x1C000] =	vst v63  }
0x1f2: {  	_ =	swait.ge [sflag:s3], $0xE000  }
0x1f3: {  	[sflag:s3] =	ssyncset.done $0x0  }
0x1f4: {  	s1 =	rddreg [dreg:$0x8];
	[sflag:s3] =	ssyncadd.s32 $0xFFFF2000  }
0x1f5: {  	[tilespmem:s10], [sflag:$0x2] =	stream.linear.gather [hbm4b:s1+s2], $0xE000, $0x38;
	[tilespmem:$0x1C000] =	vst v63  }
0x1f6: {  	_ =	swait.ge [sflag:s12], $0xE000  }
0x1f7: {  	[sflag:s12] =	ssyncset.done $0x0  }
0x1f8: {  	s1 =	rddreg [dreg:$0x9];
	[sflag:s12] =	ssyncadd.s32 $0xFFFF2000  }
0x1f9: {  	[hbm4b:s1+s2] =	stream.linear.scatter [tilespmem:s2], [sflag:$0x3], $0xE000, $0x38;
	[tilespmem:$0x1C000] =	vst v63  }
0x1fa: {  	_ =	swait.ge [sflag:s6], $0xE000  }
0x1fb: {  	[sflag:s6] =	ssyncset.done $0x0  }
0x1fc: {  	s1 =	rddreg [dreg:$0xa];
	[sflag:s6] =	ssyncadd.s32 $0xFFFF2000  }
0x1fd: {  	[tilespmem:s2], [sflag:$0x1] =	stream.linear.gather [hbm4b:s1+s2], $0xE000, $0x38;
	[tilespmem:$0x1C000] =	vst v63  }
0x1fe: {  	_ =	swait.ge [sflag:s8], $0xE000  }
0x1ff: {  	[sflag:s8] =	ssyncset.done $0x0  }
0x200: {  	s1 =	rddreg [dreg:$0xb];
	[sflag:s8] =	ssyncadd.s32 $0xFFFF2000  }
0x201: {  	[hbm4b:s1+s2] =	stream.linear.scatter [tilespmem:s10], [sflag:$0x4], $0xE000, $0x38;
	[tilespmem:$0x1C000] =	vst v63  }
0x202: {  	_ =	swait.ge [sflag:s3], $0xE000  }
0x203: {  	[sflag:s3] =	ssyncset.done $0x0  }
0x204: {  	s1 =	rddreg [dreg:$0xc];
	[sflag:s3] =	ssyncadd.s32 $0xFFFF2000  }
0x205: {  	[tilespmem:s10], [sflag:$0x2] =	stream.linear.gather [hbm4b:s1+s2], $0xE000, $0x38;
	[tilespmem:$0x1C000] =	vst v63  }
0x206: {  	_ =	swait.ge [sflag:s12], $0xE000  }
0x207: {  	[sflag:s12] =	ssyncset.done $0x0  }
0x208: {  	s1 =	rddreg [dreg:$0xd];
	[sflag:s12] =	ssyncadd.s32 $0xFFFF2000  }
0x209: {  	[hbm4b:s1+s2] =	stream.linear.scatter [tilespmem:s2], [sflag:$0x3], $0xE000, $0x38;
	[tilespmem:$0x1C000] =	vst v63  }
0x20a: {  	_ =	swait.ge [sflag:s6], $0xE000  }
0x20b: {  	[sflag:s6] =	ssyncset.done $0x0  }
0x20c: {  	s1 =	rddreg [dreg:$0xe];
	[sflag:s6] =	ssyncadd.s32 $0xFFFF2000  }
0x20d: {  	[tilespmem:s2], [sflag:$0x1] =	stream.linear.gather [hbm4b:s1+s2], $0xE000, $0x38;
	[tilespmem:$0x1C000] =	vst v63  }
0x20e: {  	_ =	swait.ge [sflag:s8], $0xE000  }
0x20f: {  	[sflag:s8] =	ssyncset.done $0x0  }
0x210: {  	s1 =	rddreg [dreg:$0xf];
	[sflag:s8] =	ssyncadd.s32 $0xFFFF2000  }
0x211: {  	[hbm4b:s1+s2] =	stream.linear.scatter [tilespmem:s10], [sflag:$0x4], $0xE000, $0x38;
	[tilespmem:$0x1C000] =	vst v63  }
0x212: {  	_ =	swait.ge [sflag:s3], $0xE000  }
0x213: {  	[sflag:s3] =	ssyncset.done $0x0  }
0x214: {  	s1 =	rddreg [dreg:$0x10];
	[sflag:s3] =	ssyncadd.s32 $0xFFFF2000  }
0x215: {  	[tilespmem:s10], [sflag:$0x2] =	stream.linear.gather [hbm4b:s1+s2], $0xE000, $0x38;
	[tilespmem:$0x1C000] =	vst v63  }
0x216: {  	_ =	swait.ge [sflag:s12], $0xE000  }
0x217: {  	[sflag:s12] =	ssyncset.done $0x0  }
0x218: {  	s1 =	rddreg [dreg:$0x11];
	[sflag:s12] =	ssyncadd.s32 $0xFFFF2000  }
0x219: {  	[hbm4b:s1+s2] =	stream.linear.scatter [tilespmem:s2], [sflag:$0x3], $0xE000, $0x38;
	[tilespmem:$0x1C000] =	vst v63  }
0x21a: {  	_ =	swait.ge [sflag:s6], $0xE000  }
0x21b: {  	[sflag:s6] =	ssyncset.done $0x0  }
0x21c: {  	s1 =	rddreg [dreg:$0x12];
	[sflag:s6] =	ssyncadd.s32 $0xFFFF2000  }
0x21d: {  	[tilespmem:s2], [sflag:$0x1] =	stream.linear.gather [hbm4b:s1+s2], $0xE000, $0x38;
	[tilespmem:$0x1C000] =	vst v63  }
0x21e: {  	_ =	swait.ge [sflag:s8], $0xE000  }
0x21f: {  	[sflag:s8] =	ssyncset.done $0x0  }
0x220: {  	s1 =	rddreg [dreg:$0x13];
	[sflag:s8] =	ssyncadd.s32 $0xFFFF2000  }
0x221: {  	[hbm4b:s1+s2] =	stream.linear.scatter [tilespmem:s10], [sflag:$0x4], $0xE000, $0x38;
	[tilespmem:$0x1C000] =	vst v63  }
0x222: {  	_ =	swait.ge [sflag:s3], $0xE000  }
0x223: {  	[sflag:s3] =	ssyncset.done $0x0  }
0x224: {  	s1 =	rddreg [dreg:$0x14];
	[sflag:s3] =	ssyncadd.s32 $0xFFFF2000  }
0x225: {  	[tilespmem:s10], [sflag:$0x2] =	stream.linear.gather [hbm4b:s1+s2], $0xE000, $0x38;
	[tilespmem:$0x1C000] =	vst v63  }
0x226: {  	_ =	swait.ge [sflag:s12], $0xE000  }
0x227: {  	[sflag:s12] =	ssyncset.done $0x0  }
0x228: {  	s1 =	rddreg [dreg:$0x15];
	[sflag:s12] =	ssyncadd.s32 $0xFFFF2000  }
0x229: {  	[hbm4b:s1+s2] =	stream.linear.scatter [tilespmem:s2], [sflag:$0x3], $0xE000, $0x38;
	[tilespmem:$0x1C000] =	vst v63  }
0x22a: {  	_ =	swait.ge [sflag:s6], $0xE000  }
0x22b: {  	[sflag:s6] =	ssyncset.done $0x0  }
0x22c: {  	s1 =	rddreg [dreg:$0x16];
	[sflag:s6] =	ssyncadd.s32 $0xFFFF2000  }
0x22d: {  	[tilespmem:s2], [sflag:$0x1] =	stream.linear.gather [hbm4b:s1+s2], $0xE000, $0x38;
	[tilespmem:$0x1C000] =	vst v63  }
0x22e: {  	_ =	swait.ge [sflag:s8], $0xE000  }
0x22f: {  	[sflag:s8] =	ssyncset.done $0x0  }
0x230: {  	s1 =	rddreg [dreg:$0x17];
	[sflag:s8] =	ssyncadd.s32 $0xFFFF2000  }
0x231: {  	[hbm4b:s1+s2] =	stream.linear.scatter [tilespmem:s10], [sflag:$0x4], $0xE000, $0x38;
	[tilespmem:$0x1C000] =	vst v63  }
0x232: {  	_ =	swait.ge [sflag:s3], $0xE000  }
0x233: {  	[sflag:s3] =	ssyncset.done $0x0  }
0x234: {  	s1 =	rddreg [dreg:$0x18];
	[sflag:s3] =	ssyncadd.s32 $0xFFFF2000  }
0x235: {  	[tilespmem:s10], [sflag:$0x2] =	stream.linear.gather [hbm4b:s1+s2], $0xE000, $0x38;
	[tilespmem:$0x1C000] =	vst v63  }
0x236: {  	_ =	swait.ge [sflag:s12], $0xE000  }
0x237: {  	[sflag:s12] =	ssyncset.done $0x0  }
0x238: {  	s1 =	rddreg [dreg:$0x19];
	[sflag:s12] =	ssyncadd.s32 $0xFFFF2000  }
0x239: {  	[hbm4b:s1+s2] =	stream.linear.scatter [tilespmem:s2], [sflag:$0x3], $0xE000, $0x38;
	[tilespmem:$0x1C000] =	vst v63  }
0x23a: {  	_ =	swait.ge [sflag:s6], $0xE000  }
0x23b: {  	[sflag:s6] =	ssyncset.done $0x0  }
0x23c: {  	s1 =	rddreg [dreg:$0x1a];
	[sflag:s6] =	ssyncadd.s32 $0xFFFF2000  }
0x23d: {  	[tilespmem:s2], [sflag:$0x1] =	stream.linear.gather [hbm4b:s1+s2], $0xE000, $0x38;
	[tilespmem:$0x1C000] =	vst v63  }
0x23e: {  	_ =	swait.ge [sflag:s8], $0xE000  }
0x23f: {  	[sflag:s8] =	ssyncset.done $0x0  }
0x240: {  	s1 =	rddreg [dreg:$0x1b];
	[sflag:s8] =	ssyncadd.s32 $0xFFFF2000  }
0x241: {  	[hbm4b:s1+s2] =	stream.linear.scatter [tilespmem:s10], [sflag:$0x4], $0xE000, $0x38;
	[tilespmem:$0x1C000] =	vst v63  }
0x242: {  	_ =	swait.ge [sflag:s3], $0xE000  }
0x243: {  	[sflag:s3] =	ssyncset.done $0x0  }
0x244: {  	[sflag:s3] =	ssyncadd.s32 $0xFFFF2000  }
0x245: {  	[tilespmem:s10], [sflag:$0x2] =	stream.linear.gather [hbm4b:s31+s2], $0xE000, $0x38;
	[tilespmem:$0x1C000] =	vst v63  }
0x246: {  	_ =	swait.ge [sflag:s12], $0xE000  }
0x247: {  	[sflag:s12] =	ssyncset.done $0x0  }
0x248: {  	[sflag:s12] =	ssyncadd.s32 $0xFFFF2000  }
0x249: {  	[hbm4b:s30+s2] =	stream.linear.scatter [tilespmem:s2], [sflag:$0x3], $0xE000, $0x38;
	[tilespmem:$0x1C000] =	vst v63  }
0x24a: {  	_ =	swait.ge [sflag:s6], $0xE000  }
0x24b: {  	[sflag:s6] =	ssyncset.done $0x0  }
0x24c: {  	[sflag:s6] =	ssyncadd.s32 $0xFFFF2000  }
0x24d: {  	[tilespmem:s2], [sflag:$0x1] =	stream.linear.gather [hbm4b:s29+s2], $0xE000, $0x38;
	[tilespmem:$0x1C000] =	vst v63  }
0x24e: {  	_ =	swait.ge [sflag:s8], $0xE000  }
0x24f: {  	[sflag:s8] =	ssyncset.done $0x0  }
0x250: {  	[sflag:s8] =	ssyncadd.s32 $0xFFFF2000  }
0x251: {  	[hbm4b:s28+s2] =	stream.linear.scatter [tilespmem:s10], [sflag:$0x4], $0xE000, $0x38;
	[tilespmem:$0x1C000] =	vst v63  }
0x252: {  	_ =	swait.ge [sflag:s3], $0xE000  }
0x253: {  	[sflag:s3] =	ssyncset.done $0x0  }
0x254: {  	[sflag:s3] =	ssyncadd.s32 $0xFFFF2000  }
0x255: {  	[tilespmem:s10], [sflag:$0x2] =	stream.linear.gather [hbm4b:s26+s2], $0xE000, $0x38;
	[tilespmem:$0x1C000] =	vst v63  }
0x256: {  	_ =	swait.ge [sflag:s12], $0xE000  }
0x257: {  	[sflag:s12] =	ssyncset.done $0x0  }
0x258: {  	[sflag:s12] =	ssyncadd.s32 $0xFFFF2000  }
0x259: {  	[hbm4b:s25+s2] =	stream.linear.scatter [tilespmem:s2], [sflag:$0x3], $0xE000, $0x38;
	[tilespmem:$0x1C000] =	vst v63  }
0x25a: {  	_ =	swait.ge [sflag:s6], $0xE000  }
0x25b: {  	[sflag:s6] =	ssyncset.done $0x0  }
0x25c: {  	[sflag:s6] =	ssyncadd.s32 $0xFFFF2000  }
0x25d: {  	[tilespmem:s2], [sflag:$0x1] =	stream.linear.gather [hbm4b:s24+s2], $0xE000, $0x38;
	[tilespmem:$0x1C000] =	vst v63  }
0x25e: {  	_ =	swait.ge [sflag:s8], $0xE000  }
0x25f: {  	[sflag:s8] =	ssyncset.done $0x0  }
0x260: {  	[sflag:s8] =	ssyncadd.s32 $0xFFFF2000  }
0x261: {  	[hbm4b:s23+s2] =	stream.linear.scatter [tilespmem:s10], [sflag:$0x4], $0xE000, $0x38;
	[tilespmem:$0x1C000] =	vst v63  }
0x262: {  	_ =	swait.ge [sflag:s3], $0xE000  }
0x263: {  	[sflag:s3] =	ssyncset.done $0x0  }
0x264: {  	[sflag:s3] =	ssyncadd.s32 $0xFFFF2000  }
0x265: {  	[tilespmem:s10], [sflag:$0x2] =	stream.linear.gather [hbm4b:s22+s2], $0xE000, $0x38;
	[tilespmem:$0x1C000] =	vst v63  }
0x266: {  	_ =	swait.ge [sflag:s12], $0xE000  }
0x267: {  	[sflag:s12] =	ssyncset.done $0x0  }
0x268: {  	[sflag:s12] =	ssyncadd.s32 $0xFFFF2000  }
0x269: {  	[hbm4b:s21+s2] =	stream.linear.scatter [tilespmem:s2], [sflag:$0x3], $0xE000, $0x38;
	[tilespmem:$0x1C000] =	vst v63  }
0x26a: {  	_ =	swait.ge [sflag:s6], $0xE000  }
0x26b: {  	[sflag:s6] =	ssyncset.done $0x0  }
0x26c: {  	[sflag:s6] =	ssyncadd.s32 $0xFFFF2000  }
0x26d: {  	[tilespmem:s2], [sflag:$0x1] =	stream.linear.gather [hbm4b:s20+s2], $0xE000, $0x38;
	[tilespmem:$0x1C000] =	vst v63  }
0x26e: {  	_ =	swait.ge [sflag:s8], $0xE000  }
0x26f: {  	[sflag:s8] =	ssyncset.done $0x0  }
0x270: {  	[sflag:s8] =	ssyncadd.s32 $0xFFFF2000  }
0x271: {  	[hbm4b:s19+s2] =	stream.linear.scatter [tilespmem:s10], [sflag:$0x4], $0xE000, $0x38;
	[tilespmem:$0x1C000] =	vst v63  }
0x272: {  	_ =	swait.ge [sflag:s3], $0xE000  }
0x273: {  	[sflag:s3] =	ssyncset.done $0x0  }
0x274: {  	[sflag:s3] =	ssyncadd.s32 $0xFFFF2000  }
0x275: {  	[tilespmem:s10], [sflag:$0x2] =	stream.linear.gather [hbm4b:s18+s2], $0xE000, $0x38;
	[tilespmem:$0x1C000] =	vst v63  }
0x276: {  	_ =	swait.ge [sflag:s12], $0xE000  }
0x277: {  	[sflag:s12] =	ssyncset.done $0x0  }
0x278: {  	[sflag:s12] =	ssyncadd.s32 $0xFFFF2000  }
0x279: {  	[hbm4b:s17+s2] =	stream.linear.scatter [tilespmem:s2], [sflag:$0x3], $0xE000, $0x38;
	[tilespmem:$0x1C000] =	vst v63  }
0x27a: {  	_ =	swait.ge [sflag:s6], $0xE000  }
0x27b: {  	[sflag:s6] =	ssyncset.done $0x0  }
0x27c: {  	[sflag:s6] =	ssyncadd.s32 $0xFFFF2000  }
0x27d: {  	[tilespmem:s2], [sflag:$0x1] =	stream.linear.gather [hbm4b:s16+s2], $0xE000, $0x38;
	[tilespmem:$0x1C000] =	vst v63  }
0x27e: {  	_ =	swait.ge [sflag:s8], $0xE000  }
0x27f: {  	[sflag:s8] =	ssyncset.done $0x0  }
0x280: {  	[sflag:s8] =	ssyncadd.s32 $0xFFFF2000  }
0x281: {  	[hbm4b:s15+s2] =	stream.linear.scatter [tilespmem:s10], [sflag:$0x4], $0xE000, $0x38;
	[tilespmem:$0x1C000] =	vst v63  }
0x282: {  	_ =	swait.ge [sflag:s3], $0xE000  }
0x283: {  	[sflag:s3] =	ssyncset.done $0x0  }
0x284: {  	[sflag:s3] =	ssyncadd.s32 $0xFFFF2000  }
0x285: {  	[tilespmem:s10], [sflag:$0x2] =	stream.linear.gather [hbm4b:s14+s2], $0xE000, $0x38;
	[tilespmem:$0x1C000] =	vst v63  }
0x286: {  	_ =	swait.ge [sflag:s12], $0xE000  }
0x287: {  	[sflag:s12] =	ssyncset.done $0x0  }
0x288: {  	[sflag:s12] =	ssyncadd.s32 $0xFFFF2000  }
0x289: {  	[hbm4b:s13+s2] =	stream.linear.scatter [tilespmem:s2], [sflag:$0x3], $0xE000, $0x38;
	[tilespmem:$0x1C000] =	vst v63  }
0x28a: {  	_ =	swait.ge [sflag:s6], $0xE000  }
0x28b: {  	[sflag:s6] =	ssyncset.done $0x0  }
0x28c: {  	[sflag:s6] =	ssyncadd.s32 $0xFFFF2000  }
0x28d: {  	[tilespmem:s2], [sflag:$0x1] =	stream.linear.gather [hbm4b:s11+s2], $0xE000, $0x38;
	[tilespmem:$0x1C000] =	vst v63  }
0x28e: {  	_ =	swait.ge [sflag:s8], $0xE000  }
0x28f: {  	[sflag:s8] =	ssyncset.done $0x0  }
0x290: {  	[sflag:s8] =	ssyncadd.s32 $0xFFFF2000  }
0x291: {  	[hbm4b:s9+s2] =	stream.linear.scatter [tilespmem:s10], [sflag:$0x4], $0xE000, $0x38;
	[tilespmem:$0x1C000] =	vst v63  }
0x292: {  	_ =	swait.ge [sflag:s3], $0xE000  }
0x293: {  	[sflag:s3] =	ssyncset.done $0x0  }
0x294: {  	[sflag:s3] =	ssyncadd.s32 $0xFFFF2000  }
0x295: {  	[tilespmem:s10], [sflag:$0x2] =	stream.linear.gather [hbm4b:s7+s2], $0xE000, $0x38;
	[tilespmem:$0x1C000] =	vst v63  }
0x296: {  	_ =	swait.ge [sflag:s12], $0xE000  }
0x297: {  	[sflag:s12] =	ssyncset.done $0x0  }
0x298: {  	[sflag:s12] =	ssyncadd.s32 $0xFFFF2000  }
0x299: {  	[hbm4b:s5+s2] =	stream.linear.scatter [tilespmem:s2], [sflag:$0x3], $0xE000, $0x38;
	[tilespmem:$0x1C000] =	vst v63  }
0x29a: {  	_ =	swait.ge [sflag:s8], $0xE000  }
0x29b: {  	[sflag:s8] =	ssyncset.done $0x0  }
0x29c: {  	[sflag:s8] =	ssyncadd.s32 $0xFFFF2000  }
0x29d: {  	[hbm4b:s4+s2] =	stream.linear.scatter [tilespmem:s10], [sflag:$0x4], $0xE000, $0x38;
	[tilespmem:$0x1C000] =	vst v63  }
0x29e: {  	_ =	swait.ge [sflag:s6], $0xE000  }
0x29f: {  	[sflag:s6] =	ssyncset.done $0x0  }
0x2a0: {  	[sflag:s6] =	ssyncadd.s32 $0xFFFF2000  }
0x2a1: {  	_ =	swait.ge [sflag:s3], $0xE000  }
0x2a2: {  	[sflag:s3] =	ssyncset.done $0x0  }
0x2a3: {  	[sflag:s3] =	ssyncadd.s32 $0xFFFF2000  }
0x2a4: {  	_ =	sfence.sel $0x180000  }
0x2a5: {  	[bflag:$0x0] =	sbarrier.arrive $0xFFFF  }
0x2a6: {  	_ =	strace $0x90000047  }
0x2a7: {  	s31 =	stileid.u32;
	[bflag:$0x2] =	sbarrier.arrive $0xFFFF  }
0x2a8: {  	p0 =	sne.s32 s31, $0x0;
	s0 =	rddreg [dreg:$0x2]  }
0x2a9: {  	s0 =	sadd.s32 @!p0 $0x100000, s0  }
0x2aa: {  	[sflag:s0] =	ssyncadd.tile.s32 @!p0 $0x1;
	_ =	shalt  }
.Lfunc_end2:
_tile_overlayer_lowered:
.L_overlay_start_2:
0x2ab: {  	(tag) =	ssettag $0x2  }
0x2ac: {  	s0 =	rddreg [dreg:$0x0];
	s2 =	stileid.u32  }
0x2ad: {  	s1 =	rddreg [dreg:$0x1];
	p0 =	sne.s32 s2, $0x0  }
0x2ae: {  	s3 =	rddreg [dreg:$0x2];
	[bflag:$0x3] =	sbarrier.arrive $0xFFFF;
	s2 =	simm.s32 @!p0 $0x1C05  }
0x2af: {  	[timem:s3], [sflag:s2] =	dma.local @!p0 [hbm:s0], s1  }
0x2b0: {  	s0 =	simm.s32 @!p0 $0x5  }
0x2b1: {  	_ =	swait.ge @!p0 [sflag:s0], s1  }
0x2b2: {  	s1 =	ssub.s32 @!p0 $0x0, s1;
	[sflag:s0] =	ssyncset.done @!p0 $0x0  }
0x2b3: {  	[sflag:s0] =	ssyncadd.s32 @!p0 s1  }
0x2b4: {  	[bflag:$0x3] =	sbarrier.arrive $0xFFFF  }
0x2b5: {  	_ =	shalt  }

</sc_bundles>
